<compile_context>
chip_gen: v7x
topology: tpu7x:2x2x1
jax: 0.10.2.dev20260603
libtpu: 0.0.44.dev20260713+nightly
codegen_flags: <defaults>
</compile_context>

<pallas_src>
import functools

import jax
import jax.numpy as jnp
from jax import lax
from jax.experimental import pallas as pl
from jax.experimental.pallas import tpu as pltpu
from jax.experimental.pallas import tpu_sc as plsc

NC = 2
NS = 16
NW = NC * NS


def _pad_rows(N):
    return -(-N // (8 * NS)) * (8 * NS)


def _make_sc_aggregate(N, E, D, C):
    EPT = E // NW
    NCHUNK = EPT // C
    NP = _pad_rows(N)
    RPT = NP // NS
    mesh = plsc.VectorSubcoreMesh(core_axis_name="c", subcore_axis_name="s")

    NB_ = 4
    assert NCHUNK % NB_ == 1
    NGRP = (NCHUNK - 1) // NB_

    @functools.partial(
        pl.kernel, mesh=mesh,
        out_type=jax.ShapeDtypeStruct((NC, NP, D), jnp.float32),
        scratch_types=(
            [pltpu.VMEM((C,), jnp.int32)] * NB_
            + [pltpu.VMEM((C,), jnp.int32)] * NB_
            + [pltpu.VMEM((C, D), jnp.float32)] * NB_
            + [pltpu.VMEM_SHARED((NP, D), jnp.float32)]
            + [pltpu.SemaphoreType.DMA] * (2 * NB_)
        ),
    )
    def agg(feat_hbm, src_hbm, dst_hbm, z_hbm, out_hbm, *scr):
        srcb = scr[0:NB_]
        dstb = scr[NB_:2 * NB_]
        rbuf = scr[2 * NB_:3 * NB_]
        acc_sh = scr[3 * NB_]
        si = scr[3 * NB_ + 1:3 * NB_ + 1 + NB_]
        sg = scr[3 * NB_ + 1 + NB_:]
        c = lax.axis_index("c")
        s = lax.axis_index("s")
        wid = c * NS + s
        ebase = wid * EPT

        def start_idx(ch, k):
            pltpu.async_copy(src_hbm.at[pl.ds(ebase + ch * C, C)],
                             srcb[k], si[k])
            pltpu.async_copy(dst_hbm.at[pl.ds(ebase + ch * C, C)],
                             dstb[k], si[k])

        def wait_idx(k):
            pltpu.make_async_copy(src_hbm.at[pl.ds(0, C)],
                                  srcb[k], si[k]).wait()
            pltpu.make_async_copy(dst_hbm.at[pl.ds(0, C)],
                                  dstb[k], si[k]).wait()

        def start_gather(k):
            pltpu.async_copy(feat_hbm.at[srcb[k]], rbuf[k], sg[k])

        def wait_gather(k):
            pltpu.make_async_copy(feat_hbm.at[srcb[k]],
                                  rbuf[k], sg[k]).wait()

        for k in range(NB_):
            start_idx(k, k)
        pltpu.sync_copy(z_hbm.at[pl.ds(s * RPT, RPT)],
                        acc_sh.at[pl.ds(s * RPT, RPT)])
        for k in range(NB_ - 1):
            wait_idx(k)
            start_gather(k)
        plsc.subcore_barrier()

        def body(p, carry):
            for b in range(NB_):
                ch = NB_ * p + b
                k = b
                j = (b + NB_ - 1) % NB_
                wait_gather(k)
                pltpu.sync_copy(rbuf[k], acc_sh.at[dstb[k]], add=True)

                @pl.when(ch + NB_ < NCHUNK)
                def _():
                    start_idx(ch + NB_, k)

                @pl.when(ch + NB_ - 1 < NCHUNK)
                def _():
                    wait_idx(j)
                    start_gather(j)
            return carry

        lax.fori_loop(0, NGRP, body, 0)
        wait_gather(0)
        pltpu.sync_copy(rbuf[0], acc_sh.at[dstb[0]], add=True)
        plsc.subcore_barrier()

        pltpu.sync_copy(acc_sh.at[pl.ds(s * RPT, RPT)],
                        out_hbm.at[c].at[pl.ds(s * RPT, RPT)])

    return agg


def _make_sc_counts(N, E, C):
    EPT = E // NW
    NCHUNK = EPT // C
    NP = _pad_rows(N)
    RPT = NP // NS
    mesh = plsc.VectorSubcoreMesh(core_axis_name="c", subcore_axis_name="s")

    assert NCHUNK % 2 == 1
    NPAIR = (NCHUNK - 1) // 2

    @functools.partial(
        pl.kernel, mesh=mesh,
        out_type=jax.ShapeDtypeStruct((NC, NP, 128), jnp.float32),
        scratch_types=[
            pltpu.VMEM((C,), jnp.int32), pltpu.VMEM((C,), jnp.int32),
            pltpu.VMEM((C, 128), jnp.float32),
            pltpu.VMEM_SHARED((NP, 128), jnp.float32),
            pltpu.SemaphoreType.DMA, pltpu.SemaphoreType.DMA,
        ],
    )
    def cntk(ones_hbm, dst_hbm, z_hbm, out_hbm,
             dst0, dst1, ones_v, acc_sh, si0, si1):
        c = lax.axis_index("c")
        s = lax.axis_index("s")
        wid = c * NS + s
        dstb, si = (dst0, dst1), (si0, si1)
        ebase = wid * EPT

        def start_idx(ch, k):
            pltpu.async_copy(dst_hbm.at[pl.ds(ebase + ch * C, C)],
                             dstb[k], si[k])

        def wait_idx(k):
            pltpu.make_async_copy(dst_hbm.at[pl.ds(0, C)],
                                  dstb[k], si[k]).wait()

        start_idx(0, 0)
        start_idx(1, 1)
        pltpu.sync_copy(z_hbm.at[pl.ds(s * RPT, RPT)],
                        acc_sh.at[pl.ds(s * RPT, RPT)])
        pltpu.sync_copy(ones_hbm, ones_v)
        wait_idx(0)
        plsc.subcore_barrier()

        def body(p, carry):
            for b in range(2):
                ch = 2 * p + b
                k, nk = b, 1 - b
                pltpu.sync_copy(ones_v, acc_sh.at[dstb[k]], add=True)

                @pl.when(ch < NCHUNK - 2)
                def _():
                    start_idx(ch + 2, k)
                wait_idx(nk)
            return carry

        lax.fori_loop(0, NPAIR, body, 0)
        pltpu.sync_copy(ones_v, acc_sh.at[dstb[0]], add=True)
        plsc.subcore_barrier()

        pltpu.sync_copy(acc_sh.at[pl.ds(s * RPT, RPT)],
                        out_hbm.at[c].at[pl.ds(s * RPT, RPT)])

    return cntk


_DN = (((1,), (1,)), ((), ()))


def _dot_t(a, w):
    return lax.dot_general(a, w, _DN, preferred_element_type=jnp.float32,
                           precision=lax.Precision.HIGHEST)


def _tc1_body(s1_ref, cnt_ref, x_ref, wl_ref, bl_ref, wr_ref, o_ref):
    a = s1_ref[0] + s1_ref[1]
    cnt = cnt_ref[0] + cnt_ref[1]
    mean = a / jnp.maximum(cnt, 1.0)
    t = _dot_t(mean, wl_ref[...]) + _dot_t(x_ref[...], wr_ref[...])
    o_ref[...] = jnp.maximum(t + bl_ref[...], 0.0)


def _tc2_body(s2_ref, cnt_ref, h_ref, w2l_ref, b2l_ref, w2r_ref,
              wh_ref, bh_ref, o_ref):
    a = s2_ref[0] + s2_ref[1]
    cnt = cnt_ref[0] + cnt_ref[1]
    mean = a / jnp.maximum(cnt, 1.0)
    t = _dot_t(mean, w2l_ref[...]) + _dot_t(h_ref[...], w2r_ref[...])
    h2 = jnp.maximum(t + b2l_ref[...], 0.0)
    o_ref[...] = _dot_t(h2, wh_ref[...]) + bh_ref[...]


def _full(shape):
    return pl.BlockSpec(shape, lambda i: (0,) * len(shape))


def kernel(x, edge_index, W1l, b1l, W1r, W2l, b2l, W2r, Wh, bh):
    N, D_IN = x.shape
    E = edge_index.shape[1]
    D_OUT = Wh.shape[0]
    C = 80

    src = edge_index[0]
    dst = edge_index[1]
    NP = _pad_rows(N)
    zeros = jnp.zeros((NP, D_IN), jnp.float32)
    ones_rows = jnp.ones((C, 128), jnp.float32)

    c1 = _make_sc_counts(N, E, C)(ones_rows, dst, zeros)
    s1 = _make_sc_aggregate(N, E, D_IN, C)(x, src, dst, zeros)

    cnt_n = c1[:, :N, :1]

    bN = 1000
    grid = (N // bN,)
    h = pl.pallas_call(
        _tc1_body,
        grid=grid,
        in_specs=[
            pl.BlockSpec((NC, bN, D_IN), lambda i: (0, i, 0)),
            pl.BlockSpec((NC, bN, 1), lambda i: (0, i, 0)),
            pl.BlockSpec((bN, D_IN), lambda i: (i, 0)),
            _full((D_IN, D_IN)),
            _full((1, D_IN)),
            _full((D_IN, D_IN)),
        ],
        out_specs=pl.BlockSpec((bN, D_IN), lambda i: (i, 0)),
        out_shape=jax.ShapeDtypeStruct((N, D_IN), jnp.float32),
    )(s1, cnt_n, x, W1l, b1l.reshape(1, -1), W1r)

    s2 = _make_sc_aggregate(N, E, D_IN, C)(h, src, dst, zeros)

    out = pl.pallas_call(
        _tc2_body,
        grid=grid,
        in_specs=[
            pl.BlockSpec((NC, bN, D_IN), lambda i: (0, i, 0)),
            pl.BlockSpec((NC, bN, 1), lambda i: (0, i, 0)),
            pl.BlockSpec((bN, D_IN), lambda i: (i, 0)),
            _full((D_IN, D_IN)),
            _full((1, D_IN)),
            _full((D_IN, D_IN)),
            _full((D_OUT, D_IN)),
            _full((1, D_OUT)),
        ],
        out_specs=pl.BlockSpec((bN, D_OUT), lambda i: (i, 0)),
        out_shape=jax.ShapeDtypeStruct((N, D_OUT), jnp.float32),
    )(s2, cnt_n, h, W2l, b2l.reshape(1, -1), W2r, Wh, bh.reshape(1, -1))

    return out

# --- scband reference (transcript-rebuilt; emitter-appended) ---
"""Pipeline reference for scband-graph-sage-43671227466095 (READ-ONLY COPY).

The authoritative reference and input builder live on the scoring server;
editing this copy changes nothing except your own understanding.
"""

import jax, jax.numpy as jnp
import numpy as np

N = 10000
E = 320000
D_IN = 128
D_HID = 128
D_OUT = 64


def setup_inputs(seed: int = 0) -> dict:
    key = jax.random.key(seed)
    ks = jax.random.split(key, 10)
    x = jax.random.normal(ks[0], (N, D_IN), dtype=jnp.float32)
    edge_index = jax.random.randint(ks[1], (2, E), 0, N, dtype=jnp.int32)
    s_in = 1.0 / np.sqrt(D_IN)
    s_hid = 1.0 / np.sqrt(D_HID)
    # SAGEConv (PyG semantics): out = lin_l(mean_aggr(x_j)) + lin_r(x_i); bias only in lin_l
    W1l = jax.random.uniform(ks[2], (D_HID, D_IN), jnp.float32, -s_in, s_in)
    b1l = jax.random.uniform(ks[3], (D_HID,), jnp.float32, -s_in, s_in)
    W1r = jax.random.uniform(ks[4], (D_HID, D_IN), jnp.float32, -s_in, s_in)
    W2l = jax.random.uniform(ks[5], (D_HID, D_HID), jnp.float32, -s_hid, s_hid)
    b2l = jax.random.uniform(ks[6], (D_HID,), jnp.float32, -s_hid, s_hid)
    W2r = jax.random.uniform(ks[7], (D_HID, D_HID), jnp.float32, -s_hid, s_hid)
    Wh = jax.random.uniform(ks[8], (D_OUT, D_HID), jnp.float32, -s_hid, s_hid)
    bh = jax.random.uniform(ks[9], (D_OUT,), jnp.float32, -s_hid, s_hid)
    return {"x": x, "edge_index": edge_index, "W1l": W1l, "b1l": b1l, "W1r": W1r,
            "W2l": W2l, "b2l": b2l, "W2r": W2r, "Wh": Wh, "bh": bh}


def _sage_conv(x, edge_index, Wl, bl, Wr):
    src = edge_index[0]
    dst = edge_index[1]
    msgs = jnp.take(x, src, axis=0)                       # gather: [E, d]
    summed = jax.ops.segment_sum(msgs, dst, num_segments=N)  # scatter-add
    cnt = jax.ops.segment_sum(jnp.ones((edge_index.shape[1],), jnp.float32), dst, num_segments=N)
    mean = summed / jnp.clip(cnt, 1.0, None)[:, None]
    return mean @ Wl.T + bl + x @ Wr.T


def reference(x, edge_index, W1l, b1l, W1r, W2l, b2l, W2r, Wh, bh):
    h = _sage_conv(x, edge_index, W1l, b1l, W1r)
    h = jax.nn.relu(h)
    h = _sage_conv(h, edge_index, W2l, b2l, W2r)
    out = jax.nn.relu(h) @ Wh.T + bh
    return out

if __name__ == "__main__":
    import jax
    _d = setup_inputs()
    print(jax.jit(kernel)(*tuple(_d.values())))

</pallas_src>

<mosaic_0001>
#map = affine_map<(d0, d1) -> (0, 0)>
#map1 = affine_map<(d0, d1) -> (0)>
#map2 = affine_map<(d0, d1) -> (0, 0, 0)>
module attributes {stable_mosaic.version = 14 : i64} {
  func.func @agg(%arg0: i32, %arg1: i32, %arg2: memref<10000x128xf32, #tpu.memory_space<hbm>>, %arg3: memref<320000xi32, #tpu.memory_space<hbm>>, %arg4: memref<320000xi32, #tpu.memory_space<hbm>>, %arg5: memref<10112x128xf32, #tpu.memory_space<hbm>>, %arg6: memref<2x10112x128xf32, #tpu.memory_space<hbm>>, %arg7: memref<80xi32, #tpu.memory_space<vmem>>, %arg8: memref<80xi32, #tpu.memory_space<vmem>>, %arg9: memref<80xi32, #tpu.memory_space<vmem>>, %arg10: memref<80xi32, #tpu.memory_space<vmem>>, %arg11: memref<80xi32, #tpu.memory_space<vmem>>, %arg12: memref<80xi32, #tpu.memory_space<vmem>>, %arg13: memref<80xi32, #tpu.memory_space<vmem>>, %arg14: memref<80xi32, #tpu.memory_space<vmem>>, %arg15: memref<80x128xf32, #tpu.memory_space<vmem>>, %arg16: memref<80x128xf32, #tpu.memory_space<vmem>>, %arg17: memref<80x128xf32, #tpu.memory_space<vmem>>, %arg18: memref<80x128xf32, #tpu.memory_space<vmem>>, %arg19: memref<10112x128xf32, #tpu.memory_space<vmem_shared>>, %arg20: memref<!tpu.dma_semaphore, #tpu.memory_space<semaphore_mem>>, %arg21: memref<!tpu.dma_semaphore, #tpu.memory_space<semaphore_mem>>, %arg22: memref<!tpu.dma_semaphore, #tpu.memory_space<semaphore_mem>>, %arg23: memref<!tpu.dma_semaphore, #tpu.memory_space<semaphore_mem>>, %arg24: memref<!tpu.dma_semaphore, #tpu.memory_space<semaphore_mem>>, %arg25: memref<!tpu.dma_semaphore, #tpu.memory_space<semaphore_mem>>, %arg26: memref<!tpu.dma_semaphore, #tpu.memory_space<semaphore_mem>>, %arg27: memref<!tpu.dma_semaphore, #tpu.memory_space<semaphore_mem>>) attributes {dimension_semantics = [#tpu.dimension_semantics<core_parallel>, #tpu.dimension_semantics<subcore_parallel>], iteration_bounds = array<i64: 2, 16>, scalar_prefetch = 0 : i64, scratch_operands = 21 : i64, tpu.core_type = #tpu.core_type<sc_vector_subcore>, window_params = [{transform_indices = #map}, {transform_indices = #map1}, {transform_indices = #map1}, {transform_indices = #map}, {transform_indices = #map2}]} {
    %mul3A = arith.constant 16 : i32
    %mul3A_0 = arith.muli %arg0, %mul3A : i32
    %add3A = arith.addi %mul3A_0, %arg1 : i32
    %mul3A_1 = arith.constant 10000 : i32
    %mul3A_2 = arith.muli %add3A, %mul3A_1 : i32
    %add3A_3 = arith.constant 0 : i32
    %add3A_4 = arith.addi %mul3A_2, %add3A_3 : i32
    %dma_start3A = tpu.memref_slice %arg3[%add3A_4] : memref<320000xi32, #tpu.memory_space<hbm>> -> memref<80xi32, #tpu.memory_space<hbm>>
    %dma_start3A_5 = tpu.memref_slice %arg3[%add3A_4] : memref<320000xi32, #tpu.memory_space<hbm>> -> memref<80xi32, #tpu.memory_space<hbm>>
    tpu.enqueue_dma source(%dma_start3A_5 : memref<80xi32, #tpu.memory_space<hbm>>) target(%arg7 : memref<80xi32, #tpu.memory_space<vmem>>) target_semaphore(%arg20 : memref<!tpu.dma_semaphore, #tpu.memory_space<semaphore_mem>>)
    %add3A_6 = arith.constant 0 : i32
    %add3A_7 = arith.addi %mul3A_2, %add3A_6 : i32
    %dma_start3A_8 = tpu.memref_slice %arg4[%add3A_7] : memref<320000xi32, #tpu.memory_space<hbm>> -> memref<80xi32, #tpu.memory_space<hbm>>
    %dma_start3A_9 = tpu.memref_slice %arg4[%add3A_7] : memref<320000xi32, #tpu.memory_space<hbm>> -> memref<80xi32, #tpu.memory_space<hbm>>
    tpu.enqueue_dma source(%dma_start3A_9 : memref<80xi32, #tpu.memory_space<hbm>>) target(%arg11 : memref<80xi32, #tpu.memory_space<vmem>>) target_semaphore(%arg20 : memref<!tpu.dma_semaphore, #tpu.memory_space<semaphore_mem>>)
    %add3A_10 = arith.constant 80 : i32
    %add3A_11 = arith.addi %mul3A_2, %add3A_10 : i32
    %dma_start3A_12 = tpu.memref_slice %arg3[%add3A_11] : memref<320000xi32, #tpu.memory_space<hbm>> -> memref<80xi32, #tpu.memory_space<hbm>>
    %dma_start3A_13 = tpu.memref_slice %arg3[%add3A_11] : memref<320000xi32, #tpu.memory_space<hbm>> -> memref<80xi32, #tpu.memory_space<hbm>>
    tpu.enqueue_dma source(%dma_start3A_13 : memref<80xi32, #tpu.memory_space<hbm>>) target(%arg8 : memref<80xi32, #tpu.memory_space<vmem>>) target_semaphore(%arg21 : memref<!tpu.dma_semaphore, #tpu.memory_space<semaphore_mem>>)
    %add3A_14 = arith.constant 80 : i32
    %add3A_15 = arith.addi %mul3A_2, %add3A_14 : i32
    %dma_start3A_16 = tpu.memref_slice %arg4[%add3A_15] : memref<320000xi32, #tpu.memory_space<hbm>> -> memref<80xi32, #tpu.memory_space<hbm>>
    %dma_start3A_17 = tpu.memref_slice %arg4[%add3A_15] : memref<320000xi32, #tpu.memory_space<hbm>> -> memref<80xi32, #tpu.memory_space<hbm>>
    tpu.enqueue_dma source(%dma_start3A_17 : memref<80xi32, #tpu.memory_space<hbm>>) target(%arg12 : memref<80xi32, #tpu.memory_space<vmem>>) target_semaphore(%arg21 : memref<!tpu.dma_semaphore, #tpu.memory_space<semaphore_mem>>)
    %add3A_18 = arith.constant 160 : i32
    %add3A_19 = arith.addi %mul3A_2, %add3A_18 : i32
    %dma_start3A_20 = tpu.memref_slice %arg3[%add3A_19] : memref<320000xi32, #tpu.memory_space<hbm>> -> memref<80xi32, #tpu.memory_space<hbm>>
    %dma_start3A_21 = tpu.memref_slice %arg3[%add3A_19] : memref<320000xi32, #tpu.memory_space<hbm>> -> memref<80xi32, #tpu.memory_space<hbm>>
    tpu.enqueue_dma source(%dma_start3A_21 : memref<80xi32, #tpu.memory_space<hbm>>) target(%arg9 : memref<80xi32, #tpu.memory_space<vmem>>) target_semaphore(%arg22 : memref<!tpu.dma_semaphore, #tpu.memory_space<semaphore_mem>>)
    %add3A_22 = arith.constant 160 : i32
    %add3A_23 = arith.addi %mul3A_2, %add3A_22 : i32
    %dma_start3A_24 = tpu.memref_slice %arg4[%add3A_23] : memref<320000xi32, #tpu.memory_space<hbm>> -> memref<80xi32, #tpu.memory_space<hbm>>
    %dma_start3A_25 = tpu.memref_slice %arg4[%add3A_23] : memref<320000xi32, #tpu.memory_space<hbm>> -> memref<80xi32, #tpu.memory_space<hbm>>
    tpu.enqueue_dma source(%dma_start3A_25 : memref<80xi32, #tpu.memory_space<hbm>>) target(%arg13 : memref<80xi32, #tpu.memory_space<vmem>>) target_semaphore(%arg22 : memref<!tpu.dma_semaphore, #tpu.memory_space<semaphore_mem>>)
    %add3A_26 = arith.constant 240 : i32
    %add3A_27 = arith.addi %mul3A_2, %add3A_26 : i32
    %dma_start3A_28 = tpu.memref_slice %arg3[%add3A_27] : memref<320000xi32, #tpu.memory_space<hbm>> -> memref<80xi32, #tpu.memory_space<hbm>>
    %dma_start3A_29 = tpu.memref_slice %arg3[%add3A_27] : memref<320000xi32, #tpu.memory_space<hbm>> -> memref<80xi32, #tpu.memory_space<hbm>>
    tpu.enqueue_dma source(%dma_start3A_29 : memref<80xi32, #tpu.memory_space<hbm>>) target(%arg10 : memref<80xi32, #tpu.memory_space<vmem>>) target_semaphore(%arg23 : memref<!tpu.dma_semaphore, #tpu.memory_space<semaphore_mem>>)
    %add3A_30 = arith.constant 240 : i32
    %add3A_31 = arith.addi %mul3A_2, %add3A_30 : i32
    %dma_start3A_32 = tpu.memref_slice %arg4[%add3A_31] : memref<320000xi32, #tpu.memory_space<hbm>> -> memref<80xi32, #tpu.memory_space<hbm>>
    %dma_start3A_33 = tpu.memref_slice %arg4[%add3A_31] : memref<320000xi32, #tpu.memory_space<hbm>> -> memref<80xi32, #tpu.memory_space<hbm>>
    tpu.enqueue_dma source(%dma_start3A_33 : memref<80xi32, #tpu.memory_space<hbm>>) target(%arg14 : memref<80xi32, #tpu.memory_space<vmem>>) target_semaphore(%arg23 : memref<!tpu.dma_semaphore, #tpu.memory_space<semaphore_mem>>)
    %mul3A_34 = arith.constant 632 : i32
    %mul3A_35 = arith.muli %arg1, %mul3A_34 : i32
    %mul3A_36 = arith.constant 632 : i32
    %mul3A_37 = arith.muli %arg1, %mul3A_36 : i32
    "tpu.region"() ({
      %run_scoped3A = tpu.sem_alloc : memref<!tpu.dma_semaphore, #tpu.memory_space<semaphore_mem>>
      %dma_start3A_83 = arith.constant 0 : i32
      %dma_start3A_84 = tpu.memref_slice %arg19[%mul3A_37, %dma_start3A_83] : memref<10112x128xf32, #tpu.memory_space<vmem_shared>> -> memref<632x128xf32, #tpu.memory_space<vmem_shared>>
      %dma_start3A_85 = arith.constant 0 : i32
      %dma_start3A_86 = tpu.memref_slice %arg5[%mul3A_35, %dma_start3A_85] : memref<10112x128xf32, #tpu.memory_space<hbm>> -> memref<632x128xf32, #tpu.memory_space<hbm>>
      tpu.enqueue_dma source(%dma_start3A_86 : memref<632x128xf32, #tpu.memory_space<hbm>>) target(%dma_start3A_84 : memref<632x128xf32, #tpu.memory_space<vmem_shared>>) target_semaphore(%run_scoped3A : memref<!tpu.dma_semaphore, #tpu.memory_space<semaphore_mem>>)
      %dma_wait3A_87 = arith.constant 0 : i32
      %dma_wait3A_88 = tpu.memref_slice %arg19[%mul3A_37, %dma_wait3A_87] : memref<10112x128xf32, #tpu.memory_space<vmem_shared>> -> memref<632x128xf32, #tpu.memory_space<vmem_shared>>
      %dma_wait3A_89 = arith.constant 0 : i32
      %dma_wait3A_90 = tpu.memref_slice %arg5[%mul3A_35, %dma_wait3A_89] : memref<10112x128xf32, #tpu.memory_space<hbm>> -> memref<632x128xf32, #tpu.memory_space<hbm>>
      tpu.wait_dma2 semaphore(%run_scoped3A : memref<!tpu.dma_semaphore, #tpu.memory_space<semaphore_mem>>) src(%dma_wait3A_90 : memref<632x128xf32, #tpu.memory_space<hbm>>) dst(%dma_wait3A_88 : memref<632x128xf32, #tpu.memory_space<vmem_shared>>)
      tpu.yield
    }) : () -> ()
    %dma_wait3A = arith.constant 0 : i32
    %dma_wait3A_38 = tpu.memref_slice %arg3[%dma_wait3A] : memref<320000xi32, #tpu.memory_space<hbm>> -> memref<80xi32, #tpu.memory_space<hbm>>
    %dma_wait3A_39 = arith.constant 0 : i32
    %dma_wait3A_40 = tpu.memref_slice %arg3[%dma_wait3A_39] : memref<320000xi32, #tpu.memory_space<hbm>> -> memref<80xi32, #tpu.memory_space<hbm>>
    tpu.wait_dma2 semaphore(%arg20 : memref<!tpu.dma_semaphore, #tpu.memory_space<semaphore_mem>>) src(%dma_wait3A_40 : memref<80xi32, #tpu.memory_space<hbm>>) dst(%arg7 : memref<80xi32, #tpu.memory_space<vmem>>)
    %dma_wait3A_41 = arith.constant 0 : i32
    %dma_wait3A_42 = tpu.memref_slice %arg4[%dma_wait3A_41] : memref<320000xi32, #tpu.memory_space<hbm>> -> memref<80xi32, #tpu.memory_space<hbm>>
    %dma_wait3A_43 = arith.constant 0 : i32
    %dma_wait3A_44 = tpu.memref_slice %arg4[%dma_wait3A_43] : memref<320000xi32, #tpu.memory_space<hbm>> -> memref<80xi32, #tpu.memory_space<hbm>>
    tpu.wait_dma2 semaphore(%arg20 : memref<!tpu.dma_semaphore, #tpu.memory_space<semaphore_mem>>) src(%dma_wait3A_44 : memref<80xi32, #tpu.memory_space<hbm>>) dst(%arg11 : memref<80xi32, #tpu.memory_space<vmem>>)
    %dma_start3A_45 = arith.constant 0 : i32
    %dma_start3A_46 = arith.constant 0 : i32
    %dma_start3A_47 = tpu.memref_slice %arg2[%dma_start3A_45, %dma_start3A_46] : memref<10000x128xf32, #tpu.memory_space<hbm>> -> memref<10000x128xf32, #tpu.memory_space<hbm>>
    tpu.enqueue_indirect_dma source(%dma_start3A_47 : memref<10000x128xf32, #tpu.memory_space<hbm>>) target(%arg15 : memref<80x128xf32, #tpu.memory_space<vmem>>) offsets(%arg7 : memref<80xi32, #tpu.memory_space<vmem>>) semaphore(%arg24 : memref<!tpu.dma_semaphore, #tpu.memory_space<semaphore_mem>>)
    %dma_wait3A_48 = arith.constant 0 : i32
    %dma_wait3A_49 = tpu.memref_slice %arg3[%dma_wait3A_48] : memref<320000xi32, #tpu.memory_space<hbm>> -> memref<80xi32, #tpu.memory_space<hbm>>
    %dma_wait3A_50 = arith.constant 0 : i32
    %dma_wait3A_51 = tpu.memref_slice %arg3[%dma_wait3A_50] : memref<320000xi32, #tpu.memory_space<hbm>> -> memref<80xi32, #tpu.memory_space<hbm>>
    tpu.wait_dma2 semaphore(%arg21 : memref<!tpu.dma_semaphore, #tpu.memory_space<semaphore_mem>>) src(%dma_wait3A_51 : memref<80xi32, #tpu.memory_space<hbm>>) dst(%arg8 : memref<80xi32, #tpu.memory_space<vmem>>)
    %dma_wait3A_52 = arith.constant 0 : i32
    %dma_wait3A_53 = tpu.memref_slice %arg4[%dma_wait3A_52] : memref<320000xi32, #tpu.memory_space<hbm>> -> memref<80xi32, #tpu.memory_space<hbm>>
    %dma_wait3A_54 = arith.constant 0 : i32
    %dma_wait3A_55 = tpu.memref_slice %arg4[%dma_wait3A_54] : memref<320000xi32, #tpu.memory_space<hbm>> -> memref<80xi32, #tpu.memory_space<hbm>>
    tpu.wait_dma2 semaphore(%arg21 : memref<!tpu.dma_semaphore, #tpu.memory_space<semaphore_mem>>) src(%dma_wait3A_55 : memref<80xi32, #tpu.memory_space<hbm>>) dst(%arg12 : memref<80xi32, #tpu.memory_space<vmem>>)
    %dma_start3A_56 = arith.constant 0 : i32
    %dma_start3A_57 = arith.constant 0 : i32
    %dma_start3A_58 = tpu.memref_slice %arg2[%dma_start3A_56, %dma_start3A_57] : memref<10000x128xf32, #tpu.memory_space<hbm>> -> memref<10000x128xf32, #tpu.memory_space<hbm>>
    tpu.enqueue_indirect_dma source(%dma_start3A_58 : memref<10000x128xf32, #tpu.memory_space<hbm>>) target(%arg16 : memref<80x128xf32, #tpu.memory_space<vmem>>) offsets(%arg8 : memref<80xi32, #tpu.memory_space<vmem>>) semaphore(%arg25 : memref<!tpu.dma_semaphore, #tpu.memory_space<semaphore_mem>>)
    %dma_wait3A_59 = arith.constant 0 : i32
    %dma_wait3A_60 = tpu.memref_slice %arg3[%dma_wait3A_59] : memref<320000xi32, #tpu.memory_space<hbm>> -> memref<80xi32, #tpu.memory_space<hbm>>
    %dma_wait3A_61 = arith.constant 0 : i32
    %dma_wait3A_62 = tpu.memref_slice %arg3[%dma_wait3A_61] : memref<320000xi32, #tpu.memory_space<hbm>> -> memref<80xi32, #tpu.memory_space<hbm>>
    tpu.wait_dma2 semaphore(%arg22 : memref<!tpu.dma_semaphore, #tpu.memory_space<semaphore_mem>>) src(%dma_wait3A_62 : memref<80xi32, #tpu.memory_space<hbm>>) dst(%arg9 : memref<80xi32, #tpu.memory_space<vmem>>)
    %dma_wait3A_63 = arith.constant 0 : i32
    %dma_wait3A_64 = tpu.memref_slice %arg4[%dma_wait3A_63] : memref<320000xi32, #tpu.memory_space<hbm>> -> memref<80xi32, #tpu.memory_space<hbm>>
    %dma_wait3A_65 = arith.constant 0 : i32
    %dma_wait3A_66 = tpu.memref_slice %arg4[%dma_wait3A_65] : memref<320000xi32, #tpu.memory_space<hbm>> -> memref<80xi32, #tpu.memory_space<hbm>>
    tpu.wait_dma2 semaphore(%arg22 : memref<!tpu.dma_semaphore, #tpu.memory_space<semaphore_mem>>) src(%dma_wait3A_66 : memref<80xi32, #tpu.memory_space<hbm>>) dst(%arg13 : memref<80xi32, #tpu.memory_space<vmem>>)
    %dma_start3A_67 = arith.constant 0 : i32
    %dma_start3A_68 = arith.constant 0 : i32
    %dma_start3A_69 = tpu.memref_slice %arg2[%dma_start3A_67, %dma_start3A_68] : memref<10000x128xf32, #tpu.memory_space<hbm>> -> memref<10000x128xf32, #tpu.memory_space<hbm>>
    tpu.enqueue_indirect_dma source(%dma_start3A_69 : memref<10000x128xf32, #tpu.memory_space<hbm>>) target(%arg17 : memref<80x128xf32, #tpu.memory_space<vmem>>) offsets(%arg9 : memref<80xi32, #tpu.memory_space<vmem>>) semaphore(%arg26 : memref<!tpu.dma_semaphore, #tpu.memory_space<semaphore_mem>>)
    %barrier3A = arith.constant 0 : index
    tpu.barrier barrier_id(%barrier3A)
    %scan3A = arith.constant 0 : i32
    %scan3A_70 = arith.constant 0 : i32
    %scan3A_71 = arith.constant 31 : i32
    %scan3A_72 = arith.addi %scan3A_70, %scan3A_71 : i32
    %scan3A_73 = arith.constant 1 : i32
    scf.for %scan3A_83 = %scan3A_70 to %scan3A_72 step %scan3A_73  : i32 {
      %mul3A_84 = arith.constant 4 : i32
      %mul3A_85 = arith.muli %mul3A_84, %scan3A_83 : i32
      %add3A_86 = arith.constant 0 : i32
      %add3A_87 = arith.addi %mul3A_85, %add3A_86 : i32
      %dma_wait3A_88 = arith.constant 0 : i32
      %dma_wait3A_89 = arith.constant 0 : i32
      %dma_wait3A_90 = tpu.memref_slice %arg2[%dma_wait3A_88, %dma_wait3A_89] : memref<10000x128xf32, #tpu.memory_space<hbm>> -> memref<10000x128xf32, #tpu.memory_space<hbm>>
      tpu.wait_indirect_dma semaphore(%arg24 : memref<!tpu.dma_semaphore, #tpu.memory_space<semaphore_mem>>) src(%dma_wait3A_90 : memref<10000x128xf32, #tpu.memory_space<hbm>>) dst(%arg15 : memref<80x128xf32, #tpu.memory_space<vmem>>)
      "tpu.region"() ({
        %run_scoped3A = tpu.sem_alloc : memref<!tpu.dma_semaphore, #tpu.memory_space<semaphore_mem>>
        %dma_start3A_172 = arith.constant 0 : i32
        %dma_start3A_173 = arith.constant 0 : i32
        %dma_start3A_174 = tpu.memref_slice %arg19[%dma_start3A_172, %dma_start3A_173] : memref<10112x128xf32, #tpu.memory_space<vmem_shared>> -> memref<10112x128xf32, #tpu.memory_space<vmem_shared>>
        tpu.enqueue_indirect_dma source(%arg15 : memref<80x128xf32, #tpu.memory_space<vmem>>) target(%dma_start3A_174 : memref<10112x128xf32, #tpu.memory_space<vmem_shared>>) offsets(%arg11 : memref<80xi32, #tpu.memory_space<vmem>>) semaphore(%run_scoped3A : memref<!tpu.dma_semaphore, #tpu.memory_space<semaphore_mem>>) {add = true}
        %dma_wait3A_175 = arith.constant 0 : i32
        %dma_wait3A_176 = arith.constant 0 : i32
        %dma_wait3A_177 = tpu.memref_slice %arg19[%dma_wait3A_175, %dma_wait3A_176] : memref<10112x128xf32, #tpu.memory_space<vmem_shared>> -> memref<10112x128xf32, #tpu.memory_space<vmem_shared>>
        tpu.wait_indirect_dma semaphore(%run_scoped3A : memref<!tpu.dma_semaphore, #tpu.memory_space<semaphore_mem>>) src(%arg15 : memref<80x128xf32, #tpu.memory_space<vmem>>) dst(%dma_wait3A_177 : memref<10112x128xf32, #tpu.memory_space<vmem_shared>>)
        tpu.yield
      }) : () -> ()
      %add3A_91 = arith.constant 4 : i32
      %add3A_92 = arith.addi %add3A_87, %add3A_91 : i32
      %lt3A = arith.constant 125 : i32
      %lt3A_93 = arith.cmpi slt, %add3A_92, %lt3A : i32
      %convert_element_type3A = arith.extui %lt3A_93 : i1 to i32
      %cond3A = arith.constant 0 : i32
      %cond3A_94 = arith.cmpi ne, %convert_element_type3A, %cond3A : i32
      scf.if %cond3A_94 {
        %add3A_172 = arith.constant 4 : i32
        %add3A_173 = arith.addi %add3A_87, %add3A_172 : i32
        %mul3A_174 = arith.constant 80 : i32
        %mul3A_175 = arith.muli %add3A_173, %mul3A_174 : i32
        %add3A_176 = arith.addi %mul3A_2, %mul3A_175 : i32
        %dma_start3A_177 = tpu.memref_slice %arg3[%add3A_176] : memref<320000xi32, #tpu.memory_space<hbm>> -> memref<80xi32, #tpu.memory_space<hbm>>
        %dma_start3A_178 = tpu.memref_slice %arg3[%add3A_176] : memref<320000xi32, #tpu.memory_space<hbm>> -> memref<80xi32, #tpu.memory_space<hbm>>
        tpu.enqueue_dma source(%dma_start3A_178 : memref<80xi32, #tpu.memory_space<hbm>>) target(%arg7 : memref<80xi32, #tpu.memory_space<vmem>>) target_semaphore(%arg20 : memref<!tpu.dma_semaphore, #tpu.memory_space<semaphore_mem>>)
        %mul3A_179 = arith.constant 80 : i32
        %mul3A_180 = arith.muli %add3A_173, %mul3A_179 : i32
        %add3A_181 = arith.addi %mul3A_2, %mul3A_180 : i32
        %dma_start3A_182 = tpu.memref_slice %arg4[%add3A_181] : memref<320000xi32, #tpu.memory_space<hbm>> -> memref<80xi32, #tpu.memory_space<hbm>>
        %dma_start3A_183 = tpu.memref_slice %arg4[%add3A_181] : memref<320000xi32, #tpu.memory_space<hbm>> -> memref<80xi32, #tpu.memory_space<hbm>>
        tpu.enqueue_dma source(%dma_start3A_183 : memref<80xi32, #tpu.memory_space<hbm>>) target(%arg11 : memref<80xi32, #tpu.memory_space<vmem>>) target_semaphore(%arg20 : memref<!tpu.dma_semaphore, #tpu.memory_space<semaphore_mem>>)
      } else {
      }
      %add3A_95 = arith.constant 4 : i32
      %add3A_96 = arith.addi %add3A_87, %add3A_95 : i32
      %sub3A = arith.constant 1 : i32
      %sub3A_97 = arith.subi %add3A_96, %sub3A : i32
      %lt3A_98 = arith.constant 125 : i32
      %lt3A_99 = arith.cmpi slt, %sub3A_97, %lt3A_98 : i32
      %convert_element_type3A_100 = arith.extui %lt3A_99 : i1 to i32
      %cond3A_101 = arith.constant 0 : i32
      %cond3A_102 = arith.cmpi ne, %convert_element_type3A_100, %cond3A_101 : i32
      scf.if %cond3A_102 {
        %dma_wait3A_172 = arith.constant 0 : i32
        %dma_wait3A_173 = tpu.memref_slice %arg3[%dma_wait3A_172] : memref<320000xi32, #tpu.memory_space<hbm>> -> memref<80xi32, #tpu.memory_space<hbm>>
        %dma_wait3A_174 = arith.constant 0 : i32
        %dma_wait3A_175 = tpu.memref_slice %arg3[%dma_wait3A_174] : memref<320000xi32, #tpu.memory_space<hbm>> -> memref<80xi32, #tpu.memory_space<hbm>>
        tpu.wait_dma2 semaphore(%arg23 : memref<!tpu.dma_semaphore, #tpu.memory_space<semaphore_mem>>) src(%dma_wait3A_175 : memref<80xi32, #tpu.memory_space<hbm>>) dst(%arg10 : memref<80xi32, #tpu.memory_space<vmem>>)
        %dma_wait3A_176 = arith.constant 0 : i32
        %dma_wait3A_177 = tpu.memref_slice %arg4[%dma_wait3A_176] : memref<320000xi32, #tpu.memory_space<hbm>> -> memref<80xi32, #tpu.memory_space<hbm>>
        %dma_wait3A_178 = arith.constant 0 : i32
        %dma_wait3A_179 = tpu.memref_slice %arg4[%dma_wait3A_178] : memref<320000xi32, #tpu.memory_space<hbm>> -> memref<80xi32, #tpu.memory_space<hbm>>
        tpu.wait_dma2 semaphore(%arg23 : memref<!tpu.dma_semaphore, #tpu.memory_space<semaphore_mem>>) src(%dma_wait3A_179 : memref<80xi32, #tpu.memory_space<hbm>>) dst(%arg14 : memref<80xi32, #tpu.memory_space<vmem>>)
        %dma_start3A_180 = arith.constant 0 : i32
        %dma_start3A_181 = arith.constant 0 : i32
        %dma_start3A_182 = tpu.memref_slice %arg2[%dma_start3A_180, %dma_start3A_181] : memref<10000x128xf32, #tpu.memory_space<hbm>> -> memref<10000x128xf32, #tpu.memory_space<hbm>>
        tpu.enqueue_indirect_dma source(%dma_start3A_182 : memref<10000x128xf32, #tpu.memory_space<hbm>>) target(%arg18 : memref<80x128xf32, #tpu.memory_space<vmem>>) offsets(%arg10 : memref<80xi32, #tpu.memory_space<vmem>>) semaphore(%arg27 : memref<!tpu.dma_semaphore, #tpu.memory_space<semaphore_mem>>)
      } else {
      }
      %mul3A_103 = arith.constant 4 : i32
      %mul3A_104 = arith.muli %mul3A_103, %scan3A_83 : i32
      %add3A_105 = arith.constant 1 : i32
      %add3A_106 = arith.addi %mul3A_104, %add3A_105 : i32
      %dma_wait3A_107 = arith.constant 0 : i32
      %dma_wait3A_108 = arith.constant 0 : i32
      %dma_wait3A_109 = tpu.memref_slice %arg2[%dma_wait3A_107, %dma_wait3A_108] : memref<10000x128xf32, #tpu.memory_space<hbm>> -> memref<10000x128xf32, #tpu.memory_space<hbm>>
      tpu.wait_indirect_dma semaphore(%arg25 : memref<!tpu.dma_semaphore, #tpu.memory_space<semaphore_mem>>) src(%dma_wait3A_109 : memref<10000x128xf32, #tpu.memory_space<hbm>>) dst(%arg16 : memref<80x128xf32, #tpu.memory_space<vmem>>)
      "tpu.region"() ({
        %run_scoped3A = tpu.sem_alloc : memref<!tpu.dma_semaphore, #tpu.memory_space<semaphore_mem>>
        %dma_start3A_172 = arith.constant 0 : i32
        %dma_start3A_173 = arith.constant 0 : i32
        %dma_start3A_174 = tpu.memref_slice %arg19[%dma_start3A_172, %dma_start3A_173] : memref<10112x128xf32, #tpu.memory_space<vmem_shared>> -> memref<10112x128xf32, #tpu.memory_space<vmem_shared>>
        tpu.enqueue_indirect_dma source(%arg16 : memref<80x128xf32, #tpu.memory_space<vmem>>) target(%dma_start3A_174 : memref<10112x128xf32, #tpu.memory_space<vmem_shared>>) offsets(%arg12 : memref<80xi32, #tpu.memory_space<vmem>>) semaphore(%run_scoped3A : memref<!tpu.dma_semaphore, #tpu.memory_space<semaphore_mem>>) {add = true}
        %dma_wait3A_175 = arith.constant 0 : i32
        %dma_wait3A_176 = arith.constant 0 : i32
        %dma_wait3A_177 = tpu.memref_slice %arg19[%dma_wait3A_175, %dma_wait3A_176] : memref<10112x128xf32, #tpu.memory_space<vmem_shared>> -> memref<10112x128xf32, #tpu.memory_space<vmem_shared>>
        tpu.wait_indirect_dma semaphore(%run_scoped3A : memref<!tpu.dma_semaphore, #tpu.memory_space<semaphore_mem>>) src(%arg16 : memref<80x128xf32, #tpu.memory_space<vmem>>) dst(%dma_wait3A_177 : memref<10112x128xf32, #tpu.memory_space<vmem_shared>>)
        tpu.yield
      }) : () -> ()
      %add3A_110 = arith.constant 4 : i32
      %add3A_111 = arith.addi %add3A_106, %add3A_110 : i32
      %lt3A_112 = arith.constant 125 : i32
      %lt3A_113 = arith.cmpi slt, %add3A_111, %lt3A_112 : i32
      %convert_element_type3A_114 = arith.extui %lt3A_113 : i1 to i32
      %cond3A_115 = arith.constant 0 : i32
      %cond3A_116 = arith.cmpi ne, %convert_element_type3A_114, %cond3A_115 : i32
      scf.if %cond3A_116 {
        %add3A_172 = arith.constant 4 : i32
        %add3A_173 = arith.addi %add3A_106, %add3A_172 : i32
        %mul3A_174 = arith.constant 80 : i32
        %mul3A_175 = arith.muli %add3A_173, %mul3A_174 : i32
        %add3A_176 = arith.addi %mul3A_2, %mul3A_175 : i32
        %dma_start3A_177 = tpu.memref_slice %arg3[%add3A_176] : memref<320000xi32, #tpu.memory_space<hbm>> -> memref<80xi32, #tpu.memory_space<hbm>>
        %dma_start3A_178 = tpu.memref_slice %arg3[%add3A_176] : memref<320000xi32, #tpu.memory_space<hbm>> -> memref<80xi32, #tpu.memory_space<hbm>>
        tpu.enqueue_dma source(%dma_start3A_178 : memref<80xi32, #tpu.memory_space<hbm>>) target(%arg8 : memref<80xi32, #tpu.memory_space<vmem>>) target_semaphore(%arg21 : memref<!tpu.dma_semaphore, #tpu.memory_space<semaphore_mem>>)
        %mul3A_179 = arith.constant 80 : i32
        %mul3A_180 = arith.muli %add3A_173, %mul3A_179 : i32
        %add3A_181 = arith.addi %mul3A_2, %mul3A_180 : i32
        %dma_start3A_182 = tpu.memref_slice %arg4[%add3A_181] : memref<320000xi32, #tpu.memory_space<hbm>> -> memref<80xi32, #tpu.memory_space<hbm>>
        %dma_start3A_183 = tpu.memref_slice %arg4[%add3A_181] : memref<320000xi32, #tpu.memory_space<hbm>> -> memref<80xi32, #tpu.memory_space<hbm>>
        tpu.enqueue_dma source(%dma_start3A_183 : memref<80xi32, #tpu.memory_space<hbm>>) target(%arg12 : memref<80xi32, #tpu.memory_space<vmem>>) target_semaphore(%arg21 : memref<!tpu.dma_semaphore, #tpu.memory_space<semaphore_mem>>)
      } else {
      }
      %add3A_117 = arith.constant 4 : i32
      %add3A_118 = arith.addi %add3A_106, %add3A_117 : i32
      %sub3A_119 = arith.constant 1 : i32
      %sub3A_120 = arith.subi %add3A_118, %sub3A_119 : i32
      %lt3A_121 = arith.constant 125 : i32
      %lt3A_122 = arith.cmpi slt, %sub3A_120, %lt3A_121 : i32
      %convert_element_type3A_123 = arith.extui %lt3A_122 : i1 to i32
      %cond3A_124 = arith.constant 0 : i32
      %cond3A_125 = arith.cmpi ne, %convert_element_type3A_123, %cond3A_124 : i32
      scf.if %cond3A_125 {
        %dma_wait3A_172 = arith.constant 0 : i32
        %dma_wait3A_173 = tpu.memref_slice %arg3[%dma_wait3A_172] : memref<320000xi32, #tpu.memory_space<hbm>> -> memref<80xi32, #tpu.memory_space<hbm>>
        %dma_wait3A_174 = arith.constant 0 : i32
        %dma_wait3A_175 = tpu.memref_slice %arg3[%dma_wait3A_174] : memref<320000xi32, #tpu.memory_space<hbm>> -> memref<80xi32, #tpu.memory_space<hbm>>
        tpu.wait_dma2 semaphore(%arg20 : memref<!tpu.dma_semaphore, #tpu.memory_space<semaphore_mem>>) src(%dma_wait3A_175 : memref<80xi32, #tpu.memory_space<hbm>>) dst(%arg7 : memref<80xi32, #tpu.memory_space<vmem>>)
        %dma_wait3A_176 = arith.constant 0 : i32
        %dma_wait3A_177 = tpu.memref_slice %arg4[%dma_wait3A_176] : memref<320000xi32, #tpu.memory_space<hbm>> -> memref<80xi32, #tpu.memory_space<hbm>>
        %dma_wait3A_178 = arith.constant 0 : i32
        %dma_wait3A_179 = tpu.memref_slice %arg4[%dma_wait3A_178] : memref<320000xi32, #tpu.memory_space<hbm>> -> memref<80xi32, #tpu.memory_space<hbm>>
        tpu.wait_dma2 semaphore(%arg20 : memref<!tpu.dma_semaphore, #tpu.memory_space<semaphore_mem>>) src(%dma_wait3A_179 : memref<80xi32, #tpu.memory_space<hbm>>) dst(%arg11 : memref<80xi32, #tpu.memory_space<vmem>>)
        %dma_start3A_180 = arith.constant 0 : i32
        %dma_start3A_181 = arith.constant 0 : i32
        %dma_start3A_182 = tpu.memref_slice %arg2[%dma_start3A_180, %dma_start3A_181] : memref<10000x128xf32, #tpu.memory_space<hbm>> -> memref<10000x128xf32, #tpu.memory_space<hbm>>
        tpu.enqueue_indirect_dma source(%dma_start3A_182 : memref<10000x128xf32, #tpu.memory_space<hbm>>) target(%arg15 : memref<80x128xf32, #tpu.memory_space<vmem>>) offsets(%arg7 : memref<80xi32, #tpu.memory_space<vmem>>) semaphore(%arg24 : memref<!tpu.dma_semaphore, #tpu.memory_space<semaphore_mem>>)
      } else {
      }
      %mul3A_126 = arith.constant 4 : i32
      %mul3A_127 = arith.muli %mul3A_126, %scan3A_83 : i32
      %add3A_128 = arith.constant 2 : i32
      %add3A_129 = arith.addi %mul3A_127, %add3A_128 : i32
      %dma_wait3A_130 = arith.constant 0 : i32
      %dma_wait3A_131 = arith.constant 0 : i32
      %dma_wait3A_132 = tpu.memref_slice %arg2[%dma_wait3A_130, %dma_wait3A_131] : memref<10000x128xf32, #tpu.memory_space<hbm>> -> memref<10000x128xf32, #tpu.memory_space<hbm>>
      tpu.wait_indirect_dma semaphore(%arg26 : memref<!tpu.dma_semaphore, #tpu.memory_space<semaphore_mem>>) src(%dma_wait3A_132 : memref<10000x128xf32, #tpu.memory_space<hbm>>) dst(%arg17 : memref<80x128xf32, #tpu.memory_space<vmem>>)
      "tpu.region"() ({
        %run_scoped3A = tpu.sem_alloc : memref<!tpu.dma_semaphore, #tpu.memory_space<semaphore_mem>>
        %dma_start3A_172 = arith.constant 0 : i32
        %dma_start3A_173 = arith.constant 0 : i32
        %dma_start3A_174 = tpu.memref_slice %arg19[%dma_start3A_172, %dma_start3A_173] : memref<10112x128xf32, #tpu.memory_space<vmem_shared>> -> memref<10112x128xf32, #tpu.memory_space<vmem_shared>>
        tpu.enqueue_indirect_dma source(%arg17 : memref<80x128xf32, #tpu.memory_space<vmem>>) target(%dma_start3A_174 : memref<10112x128xf32, #tpu.memory_space<vmem_shared>>) offsets(%arg13 : memref<80xi32, #tpu.memory_space<vmem>>) semaphore(%run_scoped3A : memref<!tpu.dma_semaphore, #tpu.memory_space<semaphore_mem>>) {add = true}
        %dma_wait3A_175 = arith.constant 0 : i32
        %dma_wait3A_176 = arith.constant 0 : i32
        %dma_wait3A_177 = tpu.memref_slice %arg19[%dma_wait3A_175, %dma_wait3A_176] : memref<10112x128xf32, #tpu.memory_space<vmem_shared>> -> memref<10112x128xf32, #tpu.memory_space<vmem_shared>>
        tpu.wait_indirect_dma semaphore(%run_scoped3A : memref<!tpu.dma_semaphore, #tpu.memory_space<semaphore_mem>>) src(%arg17 : memref<80x128xf32, #tpu.memory_space<vmem>>) dst(%dma_wait3A_177 : memref<10112x128xf32, #tpu.memory_space<vmem_shared>>)
        tpu.yield
      }) : () -> ()
      %add3A_133 = arith.constant 4 : i32
      %add3A_134 = arith.addi %add3A_129, %add3A_133 : i32
      %lt3A_135 = arith.constant 125 : i32
      %lt3A_136 = arith.cmpi slt, %add3A_134, %lt3A_135 : i32
      %convert_element_type3A_137 = arith.extui %lt3A_136 : i1 to i32
      %cond3A_138 = arith.constant 0 : i32
      %cond3A_139 = arith.cmpi ne, %convert_element_type3A_137, %cond3A_138 : i32
      scf.if %cond3A_139 {
        %add3A_172 = arith.constant 4 : i32
        %add3A_173 = arith.addi %add3A_129, %add3A_172 : i32
        %mul3A_174 = arith.constant 80 : i32
        %mul3A_175 = arith.muli %add3A_173, %mul3A_174 : i32
        %add3A_176 = arith.addi %mul3A_2, %mul3A_175 : i32
        %dma_start3A_177 = tpu.memref_slice %arg3[%add3A_176] : memref<320000xi32, #tpu.memory_space<hbm>> -> memref<80xi32, #tpu.memory_space<hbm>>
        %dma_start3A_178 = tpu.memref_slice %arg3[%add3A_176] : memref<320000xi32, #tpu.memory_space<hbm>> -> memref<80xi32, #tpu.memory_space<hbm>>
        tpu.enqueue_dma source(%dma_start3A_178 : memref<80xi32, #tpu.memory_space<hbm>>) target(%arg9 : memref<80xi32, #tpu.memory_space<vmem>>) target_semaphore(%arg22 : memref<!tpu.dma_semaphore, #tpu.memory_space<semaphore_mem>>)
        %mul3A_179 = arith.constant 80 : i32
        %mul3A_180 = arith.muli %add3A_173, %mul3A_179 : i32
        %add3A_181 = arith.addi %mul3A_2, %mul3A_180 : i32
        %dma_start3A_182 = tpu.memref_slice %arg4[%add3A_181] : memref<320000xi32, #tpu.memory_space<hbm>> -> memref<80xi32, #tpu.memory_space<hbm>>
        %dma_start3A_183 = tpu.memref_slice %arg4[%add3A_181] : memref<320000xi32, #tpu.memory_space<hbm>> -> memref<80xi32, #tpu.memory_space<hbm>>
        tpu.enqueue_dma source(%dma_start3A_183 : memref<80xi32, #tpu.memory_space<hbm>>) target(%arg13 : memref<80xi32, #tpu.memory_space<vmem>>) target_semaphore(%arg22 : memref<!tpu.dma_semaphore, #tpu.memory_space<semaphore_mem>>)
      } else {
      }
      %add3A_140 = arith.constant 4 : i32
      %add3A_141 = arith.addi %add3A_129, %add3A_140 : i32
      %sub3A_142 = arith.constant 1 : i32
      %sub3A_143 = arith.subi %add3A_141, %sub3A_142 : i32
      %lt3A_144 = arith.constant 125 : i32
      %lt3A_145 = arith.cmpi slt, %sub3A_143, %lt3A_144 : i32
      %convert_element_type3A_146 = arith.extui %lt3A_145 : i1 to i32
      %cond3A_147 = arith.constant 0 : i32
      %cond3A_148 = arith.cmpi ne, %convert_element_type3A_146, %cond3A_147 : i32
      scf.if %cond3A_148 {
        %dma_wait3A_172 = arith.constant 0 : i32
        %dma_wait3A_173 = tpu.memref_slice %arg3[%dma_wait3A_172] : memref<320000xi32, #tpu.memory_space<hbm>> -> memref<80xi32, #tpu.memory_space<hbm>>
        %dma_wait3A_174 = arith.constant 0 : i32
        %dma_wait3A_175 = tpu.memref_slice %arg3[%dma_wait3A_174] : memref<320000xi32, #tpu.memory_space<hbm>> -> memref<80xi32, #tpu.memory_space<hbm>>
        tpu.wait_dma2 semaphore(%arg21 : memref<!tpu.dma_semaphore, #tpu.memory_space<semaphore_mem>>) src(%dma_wait3A_175 : memref<80xi32, #tpu.memory_space<hbm>>) dst(%arg8 : memref<80xi32, #tpu.memory_space<vmem>>)
        %dma_wait3A_176 = arith.constant 0 : i32
        %dma_wait3A_177 = tpu.memref_slice %arg4[%dma_wait3A_176] : memref<320000xi32, #tpu.memory_space<hbm>> -> memref<80xi32, #tpu.memory_space<hbm>>
        %dma_wait3A_178 = arith.constant 0 : i32
        %dma_wait3A_179 = tpu.memref_slice %arg4[%dma_wait3A_178] : memref<320000xi32, #tpu.memory_space<hbm>> -> memref<80xi32, #tpu.memory_space<hbm>>
        tpu.wait_dma2 semaphore(%arg21 : memref<!tpu.dma_semaphore, #tpu.memory_space<semaphore_mem>>) src(%dma_wait3A_179 : memref<80xi32, #tpu.memory_space<hbm>>) dst(%arg12 : memref<80xi32, #tpu.memory_space<vmem>>)
        %dma_start3A_180 = arith.constant 0 : i32
        %dma_start3A_181 = arith.constant 0 : i32
        %dma_start3A_182 = tpu.memref_slice %arg2[%dma_start3A_180, %dma_start3A_181] : memref<10000x128xf32, #tpu.memory_space<hbm>> -> memref<10000x128xf32, #tpu.memory_space<hbm>>
        tpu.enqueue_indirect_dma source(%dma_start3A_182 : memref<10000x128xf32, #tpu.memory_space<hbm>>) target(%arg16 : memref<80x128xf32, #tpu.memory_space<vmem>>) offsets(%arg8 : memref<80xi32, #tpu.memory_space<vmem>>) semaphore(%arg25 : memref<!tpu.dma_semaphore, #tpu.memory_space<semaphore_mem>>)
      } else {
      }
      %mul3A_149 = arith.constant 4 : i32
      %mul3A_150 = arith.muli %mul3A_149, %scan3A_83 : i32
      %add3A_151 = arith.constant 3 : i32
      %add3A_152 = arith.addi %mul3A_150, %add3A_151 : i32
      %dma_wait3A_153 = arith.constant 0 : i32
      %dma_wait3A_154 = arith.constant 0 : i32
      %dma_wait3A_155 = tpu.memref_slice %arg2[%dma_wait3A_153, %dma_wait3A_154] : memref<10000x128xf32, #tpu.memory_space<hbm>> -> memref<10000x128xf32, #tpu.memory_space<hbm>>
      tpu.wait_indirect_dma semaphore(%arg27 : memref<!tpu.dma_semaphore, #tpu.memory_space<semaphore_mem>>) src(%dma_wait3A_155 : memref<10000x128xf32, #tpu.memory_space<hbm>>) dst(%arg18 : memref<80x128xf32, #tpu.memory_space<vmem>>)
      "tpu.region"() ({
        %run_scoped3A = tpu.sem_alloc : memref<!tpu.dma_semaphore, #tpu.memory_space<semaphore_mem>>
        %dma_start3A_172 = arith.constant 0 : i32
        %dma_start3A_173 = arith.constant 0 : i32
        %dma_start3A_174 = tpu.memref_slice %arg19[%dma_start3A_172, %dma_start3A_173] : memref<10112x128xf32, #tpu.memory_space<vmem_shared>> -> memref<10112x128xf32, #tpu.memory_space<vmem_shared>>
        tpu.enqueue_indirect_dma source(%arg18 : memref<80x128xf32, #tpu.memory_space<vmem>>) target(%dma_start3A_174 : memref<10112x128xf32, #tpu.memory_space<vmem_shared>>) offsets(%arg14 : memref<80xi32, #tpu.memory_space<vmem>>) semaphore(%run_scoped3A : memref<!tpu.dma_semaphore, #tpu.memory_space<semaphore_mem>>) {add = true}
        %dma_wait3A_175 = arith.constant 0 : i32
        %dma_wait3A_176 = arith.constant 0 : i32
        %dma_wait3A_177 = tpu.memref_slice %arg19[%dma_wait3A_175, %dma_wait3A_176] : memref<10112x128xf32, #tpu.memory_space<vmem_shared>> -> memref<10112x128xf32, #tpu.memory_space<vmem_shared>>
        tpu.wait_indirect_dma semaphore(%run_scoped3A : memref<!tpu.dma_semaphore, #tpu.memory_space<semaphore_mem>>) src(%arg18 : memref<80x128xf32, #tpu.memory_space<vmem>>) dst(%dma_wait3A_177 : memref<10112x128xf32, #tpu.memory_space<vmem_shared>>)
        tpu.yield
      }) : () -> ()
      %add3A_156 = arith.constant 4 : i32
      %add3A_157 = arith.addi %add3A_152, %add3A_156 : i32
      %lt3A_158 = arith.constant 125 : i32
      %lt3A_159 = arith.cmpi slt, %add3A_157, %lt3A_158 : i32
      %convert_element_type3A_160 = arith.extui %lt3A_159 : i1 to i32
      %cond3A_161 = arith.constant 0 : i32
      %cond3A_162 = arith.cmpi ne, %convert_element_type3A_160, %cond3A_161 : i32
      scf.if %cond3A_162 {
        %add3A_172 = arith.constant 4 : i32
        %add3A_173 = arith.addi %add3A_152, %add3A_172 : i32
        %mul3A_174 = arith.constant 80 : i32
        %mul3A_175 = arith.muli %add3A_173, %mul3A_174 : i32
        %add3A_176 = arith.addi %mul3A_2, %mul3A_175 : i32
        %dma_start3A_177 = tpu.memref_slice %arg3[%add3A_176] : memref<320000xi32, #tpu.memory_space<hbm>> -> memref<80xi32, #tpu.memory_space<hbm>>
        %dma_start3A_178 = tpu.memref_slice %arg3[%add3A_176] : memref<320000xi32, #tpu.memory_space<hbm>> -> memref<80xi32, #tpu.memory_space<hbm>>
        tpu.enqueue_dma source(%dma_start3A_178 : memref<80xi32, #tpu.memory_space<hbm>>) target(%arg10 : memref<80xi32, #tpu.memory_space<vmem>>) target_semaphore(%arg23 : memref<!tpu.dma_semaphore, #tpu.memory_space<semaphore_mem>>)
        %mul3A_179 = arith.constant 80 : i32
        %mul3A_180 = arith.muli %add3A_173, %mul3A_179 : i32
        %add3A_181 = arith.addi %mul3A_2, %mul3A_180 : i32
        %dma_start3A_182 = tpu.memref_slice %arg4[%add3A_181] : memref<320000xi32, #tpu.memory_space<hbm>> -> memref<80xi32, #tpu.memory_space<hbm>>
        %dma_start3A_183 = tpu.memref_slice %arg4[%add3A_181] : memref<320000xi32, #tpu.memory_space<hbm>> -> memref<80xi32, #tpu.memory_space<hbm>>
        tpu.enqueue_dma source(%dma_start3A_183 : memref<80xi32, #tpu.memory_space<hbm>>) target(%arg14 : memref<80xi32, #tpu.memory_space<vmem>>) target_semaphore(%arg23 : memref<!tpu.dma_semaphore, #tpu.memory_space<semaphore_mem>>)
      } else {
      }
      %add3A_163 = arith.constant 4 : i32
      %add3A_164 = arith.addi %add3A_152, %add3A_163 : i32
      %sub3A_165 = arith.constant 1 : i32
      %sub3A_166 = arith.subi %add3A_164, %sub3A_165 : i32
      %lt3A_167 = arith.constant 125 : i32
      %lt3A_168 = arith.cmpi slt, %sub3A_166, %lt3A_167 : i32
      %convert_element_type3A_169 = arith.extui %lt3A_168 : i1 to i32
      %cond3A_170 = arith.constant 0 : i32
      %cond3A_171 = arith.cmpi ne, %convert_element_type3A_169, %cond3A_170 : i32
      scf.if %cond3A_171 {
        %dma_wait3A_172 = arith.constant 0 : i32
        %dma_wait3A_173 = tpu.memref_slice %arg3[%dma_wait3A_172] : memref<320000xi32, #tpu.memory_space<hbm>> -> memref<80xi32, #tpu.memory_space<hbm>>
        %dma_wait3A_174 = arith.constant 0 : i32
        %dma_wait3A_175 = tpu.memref_slice %arg3[%dma_wait3A_174] : memref<320000xi32, #tpu.memory_space<hbm>> -> memref<80xi32, #tpu.memory_space<hbm>>
        tpu.wait_dma2 semaphore(%arg22 : memref<!tpu.dma_semaphore, #tpu.memory_space<semaphore_mem>>) src(%dma_wait3A_175 : memref<80xi32, #tpu.memory_space<hbm>>) dst(%arg9 : memref<80xi32, #tpu.memory_space<vmem>>)
        %dma_wait3A_176 = arith.constant 0 : i32
        %dma_wait3A_177 = tpu.memref_slice %arg4[%dma_wait3A_176] : memref<320000xi32, #tpu.memory_space<hbm>> -> memref<80xi32, #tpu.memory_space<hbm>>
        %dma_wait3A_178 = arith.constant 0 : i32
        %dma_wait3A_179 = tpu.memref_slice %arg4[%dma_wait3A_178] : memref<320000xi32, #tpu.memory_space<hbm>> -> memref<80xi32, #tpu.memory_space<hbm>>
        tpu.wait_dma2 semaphore(%arg22 : memref<!tpu.dma_semaphore, #tpu.memory_space<semaphore_mem>>) src(%dma_wait3A_179 : memref<80xi32, #tpu.memory_space<hbm>>) dst(%arg13 : memref<80xi32, #tpu.memory_space<vmem>>)
        %dma_start3A_180 = arith.constant 0 : i32
        %dma_start3A_181 = arith.constant 0 : i32
        %dma_start3A_182 = tpu.memref_slice %arg2[%dma_start3A_180, %dma_start3A_181] : memref<10000x128xf32, #tpu.memory_space<hbm>> -> memref<10000x128xf32, #tpu.memory_space<hbm>>
        tpu.enqueue_indirect_dma source(%dma_start3A_182 : memref<10000x128xf32, #tpu.memory_space<hbm>>) target(%arg17 : memref<80x128xf32, #tpu.memory_space<vmem>>) offsets(%arg9 : memref<80xi32, #tpu.memory_space<vmem>>) semaphore(%arg26 : memref<!tpu.dma_semaphore, #tpu.memory_space<semaphore_mem>>)
      } else {
      }
    }
    %scan3A_74 = arith.constant 31 : i32
    %dma_wait3A_75 = arith.constant 0 : i32
    %dma_wait3A_76 = arith.constant 0 : i32
    %dma_wait3A_77 = tpu.memref_slice %arg2[%dma_wait3A_75, %dma_wait3A_76] : memref<10000x128xf32, #tpu.memory_space<hbm>> -> memref<10000x128xf32, #tpu.memory_space<hbm>>
    tpu.wait_indirect_dma semaphore(%arg24 : memref<!tpu.dma_semaphore, #tpu.memory_space<semaphore_mem>>) src(%dma_wait3A_77 : memref<10000x128xf32, #tpu.memory_space<hbm>>) dst(%arg15 : memref<80x128xf32, #tpu.memory_space<vmem>>)
    "tpu.region"() ({
      %run_scoped3A = tpu.sem_alloc : memref<!tpu.dma_semaphore, #tpu.memory_space<semaphore_mem>>
      %dma_start3A_83 = arith.constant 0 : i32
      %dma_start3A_84 = arith.constant 0 : i32
      %dma_start3A_85 = tpu.memref_slice %arg19[%dma_start3A_83, %dma_start3A_84] : memref<10112x128xf32, #tpu.memory_space<vmem_shared>> -> memref<10112x128xf32, #tpu.memory_space<vmem_shared>>
      tpu.enqueue_indirect_dma source(%arg15 : memref<80x128xf32, #tpu.memory_space<vmem>>) target(%dma_start3A_85 : memref<10112x128xf32, #tpu.memory_space<vmem_shared>>) offsets(%arg11 : memref<80xi32, #tpu.memory_space<vmem>>) semaphore(%run_scoped3A : memref<!tpu.dma_semaphore, #tpu.memory_space<semaphore_mem>>) {add = true}
      %dma_wait3A_86 = arith.constant 0 : i32
      %dma_wait3A_87 = arith.constant 0 : i32
      %dma_wait3A_88 = tpu.memref_slice %arg19[%dma_wait3A_86, %dma_wait3A_87] : memref<10112x128xf32, #tpu.memory_space<vmem_shared>> -> memref<10112x128xf32, #tpu.memory_space<vmem_shared>>
      tpu.wait_indirect_dma semaphore(%run_scoped3A : memref<!tpu.dma_semaphore, #tpu.memory_space<semaphore_mem>>) src(%arg15 : memref<80x128xf32, #tpu.memory_space<vmem>>) dst(%dma_wait3A_88 : memref<10112x128xf32, #tpu.memory_space<vmem_shared>>)
      tpu.yield
    }) : () -> ()
    %barrier3A_78 = arith.constant 0 : index
    tpu.barrier barrier_id(%barrier3A_78)
    %mul3A_79 = arith.constant 632 : i32
    %mul3A_80 = arith.muli %arg1, %mul3A_79 : i32
    %mul3A_81 = arith.constant 632 : i32
    %mul3A_82 = arith.muli %arg1, %mul3A_81 : i32
    "tpu.region"() ({
      %run_scoped3A = tpu.sem_alloc : memref<!tpu.dma_semaphore, #tpu.memory_space<semaphore_mem>>
      %dma_start3A_83 = arith.constant 0 : i32
      %dma_start3A_84 = arith.constant 0 : i32
      %dma_start3A_85 = tpu.memref_slice %arg6[%arg0, %dma_start3A_83, %dma_start3A_84] : memref<2x10112x128xf32, #tpu.memory_space<hbm>> -> memref<1x10112x128xf32, #tpu.memory_space<hbm>>
      %dma_start3A_86 = tpu.memref_squeeze %dma_start3A_85 : memref<1x10112x128xf32, #tpu.memory_space<hbm>> -> memref<10112x128xf32, #tpu.memory_space<hbm>>
      %dma_start3A_87 = arith.constant 0 : i32
      %dma_start3A_88 = tpu.memref_slice %dma_start3A_86[%mul3A_82, %dma_start3A_87] : memref<10112x128xf32, #tpu.memory_space<hbm>> -> memref<632x128xf32, #tpu.memory_space<hbm>>
      %dma_start3A_89 = arith.constant 0 : i32
      %dma_start3A_90 = tpu.memref_slice %arg19[%mul3A_80, %dma_start3A_89] : memref<10112x128xf32, #tpu.memory_space<vmem_shared>> -> memref<632x128xf32, #tpu.memory_space<vmem_shared>>
      tpu.enqueue_dma source(%dma_start3A_90 : memref<632x128xf32, #tpu.memory_space<vmem_shared>>) target(%dma_start3A_88 : memref<632x128xf32, #tpu.memory_space<hbm>>) target_semaphore(%run_scoped3A : memref<!tpu.dma_semaphore, #tpu.memory_space<semaphore_mem>>)
      %dma_wait3A_91 = arith.constant 0 : i32
      %dma_wait3A_92 = arith.constant 0 : i32
      %dma_wait3A_93 = tpu.memref_slice %arg6[%arg0, %dma_wait3A_91, %dma_wait3A_92] : memref<2x10112x128xf32, #tpu.memory_space<hbm>> -> memref<1x10112x128xf32, #tpu.memory_space<hbm>>
      %dma_wait3A_94 = tpu.memref_squeeze %dma_wait3A_93 : memref<1x10112x128xf32, #tpu.memory_space<hbm>> -> memref<10112x128xf32, #tpu.memory_space<hbm>>
      %dma_wait3A_95 = arith.constant 0 : i32
      %dma_wait3A_96 = tpu.memref_slice %dma_wait3A_94[%mul3A_82, %dma_wait3A_95] : memref<10112x128xf32, #tpu.memory_space<hbm>> -> memref<632x128xf32, #tpu.memory_space<hbm>>
      %dma_wait3A_97 = arith.constant 0 : i32
      %dma_wait3A_98 = tpu.memref_slice %arg19[%mul3A_80, %dma_wait3A_97] : memref<10112x128xf32, #tpu.memory_space<vmem_shared>> -> memref<632x128xf32, #tpu.memory_space<vmem_shared>>
      tpu.wait_dma2 semaphore(%run_scoped3A : memref<!tpu.dma_semaphore, #tpu.memory_space<semaphore_mem>>) src(%dma_wait3A_98 : memref<632x128xf32, #tpu.memory_space<vmem_shared>>) dst(%dma_wait3A_96 : memref<632x128xf32, #tpu.memory_space<hbm>>)
      tpu.yield
    }) : () -> ()
    return
  }
}

#map = affine_map<(d0, d1) -> (0, 0)>
#map1 = affine_map<(d0, d1) -> (0)>
#map2 = affine_map<(d0, d1) -> (0, 0, 0)>
module attributes {stable_mosaic.version = 14 : i64} {
  func.func @cntk(%arg0: i32, %arg1: i32, %arg2: memref<80x128xf32, #tpu.memory_space<hbm>>, %arg3: memref<320000xi32, #tpu.memory_space<hbm>>, %arg4: memref<10112x128xf32, #tpu.memory_space<hbm>>, %arg5: memref<2x10112x128xf32, #tpu.memory_space<hbm>>, %arg6: memref<80xi32, #tpu.memory_space<vmem>>, %arg7: memref<80xi32, #tpu.memory_space<vmem>>, %arg8: memref<80x128xf32, #tpu.memory_space<vmem>>, %arg9: memref<10112x128xf32, #tpu.memory_space<vmem_shared>>, %arg10: memref<!tpu.dma_semaphore, #tpu.memory_space<semaphore_mem>>, %arg11: memref<!tpu.dma_semaphore, #tpu.memory_space<semaphore_mem>>) attributes {dimension_semantics = [#tpu.dimension_semantics<core_parallel>, #tpu.dimension_semantics<subcore_parallel>], iteration_bounds = array<i64: 2, 16>, scalar_prefetch = 0 : i64, scratch_operands = 6 : i64, tpu.core_type = #tpu.core_type<sc_vector_subcore>, window_params = [{transform_indices = #map}, {transform_indices = #map1}, {transform_indices = #map}, {transform_indices = #map2}]} {
    %mul3A = arith.constant 16 : i32
    %mul3A_0 = arith.muli %arg0, %mul3A : i32
    %add3A = arith.addi %mul3A_0, %arg1 : i32
    %mul3A_1 = arith.constant 10000 : i32
    %mul3A_2 = arith.muli %add3A, %mul3A_1 : i32
    %add3A_3 = arith.constant 0 : i32
    %add3A_4 = arith.addi %mul3A_2, %add3A_3 : i32
    %dma_start3A = tpu.memref_slice %arg3[%add3A_4] : memref<320000xi32, #tpu.memory_space<hbm>> -> memref<80xi32, #tpu.memory_space<hbm>>
    %dma_start3A_5 = tpu.memref_slice %arg3[%add3A_4] : memref<320000xi32, #tpu.memory_space<hbm>> -> memref<80xi32, #tpu.memory_space<hbm>>
    tpu.enqueue_dma source(%dma_start3A_5 : memref<80xi32, #tpu.memory_space<hbm>>) target(%arg6 : memref<80xi32, #tpu.memory_space<vmem>>) target_semaphore(%arg10 : memref<!tpu.dma_semaphore, #tpu.memory_space<semaphore_mem>>)
    %add3A_6 = arith.constant 80 : i32
    %add3A_7 = arith.addi %mul3A_2, %add3A_6 : i32
    %dma_start3A_8 = tpu.memref_slice %arg3[%add3A_7] : memref<320000xi32, #tpu.memory_space<hbm>> -> memref<80xi32, #tpu.memory_space<hbm>>
    %dma_start3A_9 = tpu.memref_slice %arg3[%add3A_7] : memref<320000xi32, #tpu.memory_space<hbm>> -> memref<80xi32, #tpu.memory_space<hbm>>
    tpu.enqueue_dma source(%dma_start3A_9 : memref<80xi32, #tpu.memory_space<hbm>>) target(%arg7 : memref<80xi32, #tpu.memory_space<vmem>>) target_semaphore(%arg11 : memref<!tpu.dma_semaphore, #tpu.memory_space<semaphore_mem>>)
    %mul3A_10 = arith.constant 632 : i32
    %mul3A_11 = arith.muli %arg1, %mul3A_10 : i32
    %mul3A_12 = arith.constant 632 : i32
    %mul3A_13 = arith.muli %arg1, %mul3A_12 : i32
    "tpu.region"() ({
      %run_scoped3A = tpu.sem_alloc : memref<!tpu.dma_semaphore, #tpu.memory_space<semaphore_mem>>
      %dma_start3A_27 = arith.constant 0 : i32
      %dma_start3A_28 = tpu.memref_slice %arg9[%mul3A_13, %dma_start3A_27] : memref<10112x128xf32, #tpu.memory_space<vmem_shared>> -> memref<632x128xf32, #tpu.memory_space<vmem_shared>>
      %dma_start3A_29 = arith.constant 0 : i32
      %dma_start3A_30 = tpu.memref_slice %arg4[%mul3A_11, %dma_start3A_29] : memref<10112x128xf32, #tpu.memory_space<hbm>> -> memref<632x128xf32, #tpu.memory_space<hbm>>
      tpu.enqueue_dma source(%dma_start3A_30 : memref<632x128xf32, #tpu.memory_space<hbm>>) target(%dma_start3A_28 : memref<632x128xf32, #tpu.memory_space<vmem_shared>>) target_semaphore(%run_scoped3A : memref<!tpu.dma_semaphore, #tpu.memory_space<semaphore_mem>>)
      %dma_wait3A_31 = arith.constant 0 : i32
      %dma_wait3A_32 = tpu.memref_slice %arg9[%mul3A_13, %dma_wait3A_31] : memref<10112x128xf32, #tpu.memory_space<vmem_shared>> -> memref<632x128xf32, #tpu.memory_space<vmem_shared>>
      %dma_wait3A_33 = arith.constant 0 : i32
      %dma_wait3A_34 = tpu.memref_slice %arg4[%mul3A_11, %dma_wait3A_33] : memref<10112x128xf32, #tpu.memory_space<hbm>> -> memref<632x128xf32, #tpu.memory_space<hbm>>
      tpu.wait_dma2 semaphore(%run_scoped3A : memref<!tpu.dma_semaphore, #tpu.memory_space<semaphore_mem>>) src(%dma_wait3A_34 : memref<632x128xf32, #tpu.memory_space<hbm>>) dst(%dma_wait3A_32 : memref<632x128xf32, #tpu.memory_space<vmem_shared>>)
      tpu.yield
    }) : () -> ()
    "tpu.region"() ({
      %run_scoped3A = tpu.sem_alloc : memref<!tpu.dma_semaphore, #tpu.memory_space<semaphore_mem>>
      tpu.enqueue_dma source(%arg2 : memref<80x128xf32, #tpu.memory_space<hbm>>) target(%arg8 : memref<80x128xf32, #tpu.memory_space<vmem>>) target_semaphore(%run_scoped3A : memref<!tpu.dma_semaphore, #tpu.memory_space<semaphore_mem>>)
      tpu.wait_dma2 semaphore(%run_scoped3A : memref<!tpu.dma_semaphore, #tpu.memory_space<semaphore_mem>>) src(%arg2 : memref<80x128xf32, #tpu.memory_space<hbm>>) dst(%arg8 : memref<80x128xf32, #tpu.memory_space<vmem>>)
      tpu.yield
    }) : () -> ()
    %dma_wait3A = arith.constant 0 : i32
    %dma_wait3A_14 = tpu.memref_slice %arg3[%dma_wait3A] : memref<320000xi32, #tpu.memory_space<hbm>> -> memref<80xi32, #tpu.memory_space<hbm>>
    %dma_wait3A_15 = arith.constant 0 : i32
    %dma_wait3A_16 = tpu.memref_slice %arg3[%dma_wait3A_15] : memref<320000xi32, #tpu.memory_space<hbm>> -> memref<80xi32, #tpu.memory_space<hbm>>
    tpu.wait_dma2 semaphore(%arg10 : memref<!tpu.dma_semaphore, #tpu.memory_space<semaphore_mem>>) src(%dma_wait3A_16 : memref<80xi32, #tpu.memory_space<hbm>>) dst(%arg6 : memref<80xi32, #tpu.memory_space<vmem>>)
    %barrier3A = arith.constant 0 : index
    tpu.barrier barrier_id(%barrier3A)
    %scan3A = arith.constant 0 : i32
    %scan3A_17 = arith.constant 0 : i32
    %scan3A_18 = arith.constant 62 : i32
    %scan3A_19 = arith.addi %scan3A_17, %scan3A_18 : i32
    %scan3A_20 = arith.constant 1 : i32
    scf.for %scan3A_27 = %scan3A_17 to %scan3A_19 step %scan3A_20  : i32 {
      %mul3A_28 = arith.constant 2 : i32
      %mul3A_29 = arith.muli %mul3A_28, %scan3A_27 : i32
      %add3A_30 = arith.constant 0 : i32
      %add3A_31 = arith.addi %mul3A_29, %add3A_30 : i32
      "tpu.region"() ({
        %run_scoped3A = tpu.sem_alloc : memref<!tpu.dma_semaphore, #tpu.memory_space<semaphore_mem>>
        %dma_start3A_51 = arith.constant 0 : i32
        %dma_start3A_52 = arith.constant 0 : i32
        %dma_start3A_53 = tpu.memref_slice %arg9[%dma_start3A_51, %dma_start3A_52] : memref<10112x128xf32, #tpu.memory_space<vmem_shared>> -> memref<10112x128xf32, #tpu.memory_space<vmem_shared>>
        tpu.enqueue_indirect_dma source(%arg8 : memref<80x128xf32, #tpu.memory_space<vmem>>) target(%dma_start3A_53 : memref<10112x128xf32, #tpu.memory_space<vmem_shared>>) offsets(%arg6 : memref<80xi32, #tpu.memory_space<vmem>>) semaphore(%run_scoped3A : memref<!tpu.dma_semaphore, #tpu.memory_space<semaphore_mem>>) {add = true}
        %dma_wait3A_54 = arith.constant 0 : i32
        %dma_wait3A_55 = arith.constant 0 : i32
        %dma_wait3A_56 = tpu.memref_slice %arg9[%dma_wait3A_54, %dma_wait3A_55] : memref<10112x128xf32, #tpu.memory_space<vmem_shared>> -> memref<10112x128xf32, #tpu.memory_space<vmem_shared>>
        tpu.wait_indirect_dma semaphore(%run_scoped3A : memref<!tpu.dma_semaphore, #tpu.memory_space<semaphore_mem>>) src(%arg8 : memref<80x128xf32, #tpu.memory_space<vmem>>) dst(%dma_wait3A_56 : memref<10112x128xf32, #tpu.memory_space<vmem_shared>>)
        tpu.yield
      }) : () -> ()
      %lt3A = arith.constant 123 : i32
      %lt3A_32 = arith.cmpi slt, %add3A_31, %lt3A : i32
      %convert_element_type3A = arith.extui %lt3A_32 : i1 to i32
      %cond3A = arith.constant 0 : i32
      %cond3A_33 = arith.cmpi ne, %convert_element_type3A, %cond3A : i32
      scf.if %cond3A_33 {
        %add3A_51 = arith.constant 2 : i32
        %add3A_52 = arith.addi %add3A_31, %add3A_51 : i32
        %mul3A_53 = arith.constant 80 : i32
        %mul3A_54 = arith.muli %add3A_52, %mul3A_53 : i32
        %add3A_55 = arith.addi %mul3A_2, %mul3A_54 : i32
        %dma_start3A_56 = tpu.memref_slice %arg3[%add3A_55] : memref<320000xi32, #tpu.memory_space<hbm>> -> memref<80xi32, #tpu.memory_space<hbm>>
        %dma_start3A_57 = tpu.memref_slice %arg3[%add3A_55] : memref<320000xi32, #tpu.memory_space<hbm>> -> memref<80xi32, #tpu.memory_space<hbm>>
        tpu.enqueue_dma source(%dma_start3A_57 : memref<80xi32, #tpu.memory_space<hbm>>) target(%arg6 : memref<80xi32, #tpu.memory_space<vmem>>) target_semaphore(%arg10 : memref<!tpu.dma_semaphore, #tpu.memory_space<semaphore_mem>>)
      } else {
      }
      %dma_wait3A_34 = arith.constant 0 : i32
      %dma_wait3A_35 = tpu.memref_slice %arg3[%dma_wait3A_34] : memref<320000xi32, #tpu.memory_space<hbm>> -> memref<80xi32, #tpu.memory_space<hbm>>
      %dma_wait3A_36 = arith.constant 0 : i32
      %dma_wait3A_37 = tpu.memref_slice %arg3[%dma_wait3A_36] : memref<320000xi32, #tpu.memory_space<hbm>> -> memref<80xi32, #tpu.memory_space<hbm>>
      tpu.wait_dma2 semaphore(%arg11 : memref<!tpu.dma_semaphore, #tpu.memory_space<semaphore_mem>>) src(%dma_wait3A_37 : memref<80xi32, #tpu.memory_space<hbm>>) dst(%arg7 : memref<80xi32, #tpu.memory_space<vmem>>)
      %mul3A_38 = arith.constant 2 : i32
      %mul3A_39 = arith.muli %mul3A_38, %scan3A_27 : i32
      %add3A_40 = arith.constant 1 : i32
      %add3A_41 = arith.addi %mul3A_39, %add3A_40 : i32
      "tpu.region"() ({
        %run_scoped3A = tpu.sem_alloc : memref<!tpu.dma_semaphore, #tpu.memory_space<semaphore_mem>>
        %dma_start3A_51 = arith.constant 0 : i32
        %dma_start3A_52 = arith.constant 0 : i32
        %dma_start3A_53 = tpu.memref_slice %arg9[%dma_start3A_51, %dma_start3A_52] : memref<10112x128xf32, #tpu.memory_space<vmem_shared>> -> memref<10112x128xf32, #tpu.memory_space<vmem_shared>>
        tpu.enqueue_indirect_dma source(%arg8 : memref<80x128xf32, #tpu.memory_space<vmem>>) target(%dma_start3A_53 : memref<10112x128xf32, #tpu.memory_space<vmem_shared>>) offsets(%arg7 : memref<80xi32, #tpu.memory_space<vmem>>) semaphore(%run_scoped3A : memref<!tpu.dma_semaphore, #tpu.memory_space<semaphore_mem>>) {add = true}
        %dma_wait3A_54 = arith.constant 0 : i32
        %dma_wait3A_55 = arith.constant 0 : i32
        %dma_wait3A_56 = tpu.memref_slice %arg9[%dma_wait3A_54, %dma_wait3A_55] : memref<10112x128xf32, #tpu.memory_space<vmem_shared>> -> memref<10112x128xf32, #tpu.memory_space<vmem_shared>>
        tpu.wait_indirect_dma semaphore(%run_scoped3A : memref<!tpu.dma_semaphore, #tpu.memory_space<semaphore_mem>>) src(%arg8 : memref<80x128xf32, #tpu.memory_space<vmem>>) dst(%dma_wait3A_56 : memref<10112x128xf32, #tpu.memory_space<vmem_shared>>)
        tpu.yield
      }) : () -> ()
      %lt3A_42 = arith.constant 123 : i32
      %lt3A_43 = arith.cmpi slt, %add3A_41, %lt3A_42 : i32
      %convert_element_type3A_44 = arith.extui %lt3A_43 : i1 to i32
      %cond3A_45 = arith.constant 0 : i32
      %cond3A_46 = arith.cmpi ne, %convert_element_type3A_44, %cond3A_45 : i32
      scf.if %cond3A_46 {
        %add3A_51 = arith.constant 2 : i32
        %add3A_52 = arith.addi %add3A_41, %add3A_51 : i32
        %mul3A_53 = arith.constant 80 : i32
        %mul3A_54 = arith.muli %add3A_52, %mul3A_53 : i32
        %add3A_55 = arith.addi %mul3A_2, %mul3A_54 : i32
        %dma_start3A_56 = tpu.memref_slice %arg3[%add3A_55] : memref<320000xi32, #tpu.memory_space<hbm>> -> memref<80xi32, #tpu.memory_space<hbm>>
        %dma_start3A_57 = tpu.memref_slice %arg3[%add3A_55] : memref<320000xi32, #tpu.memory_space<hbm>> -> memref<80xi32, #tpu.memory_space<hbm>>
        tpu.enqueue_dma source(%dma_start3A_57 : memref<80xi32, #tpu.memory_space<hbm>>) target(%arg7 : memref<80xi32, #tpu.memory_space<vmem>>) target_semaphore(%arg11 : memref<!tpu.dma_semaphore, #tpu.memory_space<semaphore_mem>>)
      } else {
      }
      %dma_wait3A_47 = arith.constant 0 : i32
      %dma_wait3A_48 = tpu.memref_slice %arg3[%dma_wait3A_47] : memref<320000xi32, #tpu.memory_space<hbm>> -> memref<80xi32, #tpu.memory_space<hbm>>
      %dma_wait3A_49 = arith.constant 0 : i32
      %dma_wait3A_50 = tpu.memref_slice %arg3[%dma_wait3A_49] : memref<320000xi32, #tpu.memory_space<hbm>> -> memref<80xi32, #tpu.memory_space<hbm>>
      tpu.wait_dma2 semaphore(%arg10 : memref<!tpu.dma_semaphore, #tpu.memory_space<semaphore_mem>>) src(%dma_wait3A_50 : memref<80xi32, #tpu.memory_space<hbm>>) dst(%arg6 : memref<80xi32, #tpu.memory_space<vmem>>)
    }
    %scan3A_21 = arith.constant 62 : i32
    "tpu.region"() ({
      %run_scoped3A = tpu.sem_alloc : memref<!tpu.dma_semaphore, #tpu.memory_space<semaphore_mem>>
      %dma_start3A_27 = arith.constant 0 : i32
      %dma_start3A_28 = arith.constant 0 : i32
      %dma_start3A_29 = tpu.memref_slice %arg9[%dma_start3A_27, %dma_start3A_28] : memref<10112x128xf32, #tpu.memory_space<vmem_shared>> -> memref<10112x128xf32, #tpu.memory_space<vmem_shared>>
      tpu.enqueue_indirect_dma source(%arg8 : memref<80x128xf32, #tpu.memory_space<vmem>>) target(%dma_start3A_29 : memref<10112x128xf32, #tpu.memory_space<vmem_shared>>) offsets(%arg6 : memref<80xi32, #tpu.memory_space<vmem>>) semaphore(%run_scoped3A : memref<!tpu.dma_semaphore, #tpu.memory_space<semaphore_mem>>) {add = true}
      %dma_wait3A_30 = arith.constant 0 : i32
      %dma_wait3A_31 = arith.constant 0 : i32
      %dma_wait3A_32 = tpu.memref_slice %arg9[%dma_wait3A_30, %dma_wait3A_31] : memref<10112x128xf32, #tpu.memory_space<vmem_shared>> -> memref<10112x128xf32, #tpu.memory_space<vmem_shared>>
      tpu.wait_indirect_dma semaphore(%run_scoped3A : memref<!tpu.dma_semaphore, #tpu.memory_space<semaphore_mem>>) src(%arg8 : memref<80x128xf32, #tpu.memory_space<vmem>>) dst(%dma_wait3A_32 : memref<10112x128xf32, #tpu.memory_space<vmem_shared>>)
      tpu.yield
    }) : () -> ()
    %barrier3A_22 = arith.constant 0 : index
    tpu.barrier barrier_id(%barrier3A_22)
    %mul3A_23 = arith.constant 632 : i32
    %mul3A_24 = arith.muli %arg1, %mul3A_23 : i32
    %mul3A_25 = arith.constant 632 : i32
    %mul3A_26 = arith.muli %arg1, %mul3A_25 : i32
    "tpu.region"() ({
      %run_scoped3A = tpu.sem_alloc : memref<!tpu.dma_semaphore, #tpu.memory_space<semaphore_mem>>
      %dma_start3A_27 = arith.constant 0 : i32
      %dma_start3A_28 = arith.constant 0 : i32
      %dma_start3A_29 = tpu.memref_slice %arg5[%arg0, %dma_start3A_27, %dma_start3A_28] : memref<2x10112x128xf32, #tpu.memory_space<hbm>> -> memref<1x10112x128xf32, #tpu.memory_space<hbm>>
      %dma_start3A_30 = tpu.memref_squeeze %dma_start3A_29 : memref<1x10112x128xf32, #tpu.memory_space<hbm>> -> memref<10112x128xf32, #tpu.memory_space<hbm>>
      %dma_start3A_31 = arith.constant 0 : i32
      %dma_start3A_32 = tpu.memref_slice %dma_start3A_30[%mul3A_26, %dma_start3A_31] : memref<10112x128xf32, #tpu.memory_space<hbm>> -> memref<632x128xf32, #tpu.memory_space<hbm>>
      %dma_start3A_33 = arith.constant 0 : i32
      %dma_start3A_34 = tpu.memref_slice %arg9[%mul3A_24, %dma_start3A_33] : memref<10112x128xf32, #tpu.memory_space<vmem_shared>> -> memref<632x128xf32, #tpu.memory_space<vmem_shared>>
      tpu.enqueue_dma source(%dma_start3A_34 : memref<632x128xf32, #tpu.memory_space<vmem_shared>>) target(%dma_start3A_32 : memref<632x128xf32, #tpu.memory_space<hbm>>) target_semaphore(%run_scoped3A : memref<!tpu.dma_semaphore, #tpu.memory_space<semaphore_mem>>)
      %dma_wait3A_35 = arith.constant 0 : i32
      %dma_wait3A_36 = arith.constant 0 : i32
      %dma_wait3A_37 = tpu.memref_slice %arg5[%arg0, %dma_wait3A_35, %dma_wait3A_36] : memref<2x10112x128xf32, #tpu.memory_space<hbm>> -> memref<1x10112x128xf32, #tpu.memory_space<hbm>>
      %dma_wait3A_38 = tpu.memref_squeeze %dma_wait3A_37 : memref<1x10112x128xf32, #tpu.memory_space<hbm>> -> memref<10112x128xf32, #tpu.memory_space<hbm>>
      %dma_wait3A_39 = arith.constant 0 : i32
      %dma_wait3A_40 = tpu.memref_slice %dma_wait3A_38[%mul3A_26, %dma_wait3A_39] : memref<10112x128xf32, #tpu.memory_space<hbm>> -> memref<632x128xf32, #tpu.memory_space<hbm>>
      %dma_wait3A_41 = arith.constant 0 : i32
      %dma_wait3A_42 = tpu.memref_slice %arg9[%mul3A_24, %dma_wait3A_41] : memref<10112x128xf32, #tpu.memory_space<vmem_shared>> -> memref<632x128xf32, #tpu.memory_space<vmem_shared>>
      tpu.wait_dma2 semaphore(%run_scoped3A : memref<!tpu.dma_semaphore, #tpu.memory_space<semaphore_mem>>) src(%dma_wait3A_42 : memref<632x128xf32, #tpu.memory_space<vmem_shared>>) dst(%dma_wait3A_40 : memref<632x128xf32, #tpu.memory_space<hbm>>)
      tpu.yield
    }) : () -> ()
    return
  }
}

#map = affine_map<(d0, d1) -> (0, 0)>
#map1 = affine_map<(d0, d1) -> (0)>
#map2 = affine_map<(d0, d1) -> (0, 0, 0)>
module attributes {stable_mosaic.version = 14 : i64} {
  func.func @agg(%arg0: i32, %arg1: i32, %arg2: memref<10000x128xf32, #tpu.memory_space<hbm>>, %arg3: memref<320000xi32, #tpu.memory_space<hbm>>, %arg4: memref<320000xi32, #tpu.memory_space<hbm>>, %arg5: memref<10112x128xf32, #tpu.memory_space<hbm>>, %arg6: memref<2x10112x128xf32, #tpu.memory_space<hbm>>, %arg7: memref<80xi32, #tpu.memory_space<vmem>>, %arg8: memref<80xi32, #tpu.memory_space<vmem>>, %arg9: memref<80xi32, #tpu.memory_space<vmem>>, %arg10: memref<80xi32, #tpu.memory_space<vmem>>, %arg11: memref<80xi32, #tpu.memory_space<vmem>>, %arg12: memref<80xi32, #tpu.memory_space<vmem>>, %arg13: memref<80xi32, #tpu.memory_space<vmem>>, %arg14: memref<80xi32, #tpu.memory_space<vmem>>, %arg15: memref<80x128xf32, #tpu.memory_space<vmem>>, %arg16: memref<80x128xf32, #tpu.memory_space<vmem>>, %arg17: memref<80x128xf32, #tpu.memory_space<vmem>>, %arg18: memref<80x128xf32, #tpu.memory_space<vmem>>, %arg19: memref<10112x128xf32, #tpu.memory_space<vmem_shared>>, %arg20: memref<!tpu.dma_semaphore, #tpu.memory_space<semaphore_mem>>, %arg21: memref<!tpu.dma_semaphore, #tpu.memory_space<semaphore_mem>>, %arg22: memref<!tpu.dma_semaphore, #tpu.memory_space<semaphore_mem>>, %arg23: memref<!tpu.dma_semaphore, #tpu.memory_space<semaphore_mem>>, %arg24: memref<!tpu.dma_semaphore, #tpu.memory_space<semaphore_mem>>, %arg25: memref<!tpu.dma_semaphore, #tpu.memory_space<semaphore_mem>>, %arg26: memref<!tpu.dma_semaphore, #tpu.memory_space<semaphore_mem>>, %arg27: memref<!tpu.dma_semaphore, #tpu.memory_space<semaphore_mem>>) attributes {dimension_semantics = [#tpu.dimension_semantics<core_parallel>, #tpu.dimension_semantics<subcore_parallel>], iteration_bounds = array<i64: 2, 16>, scalar_prefetch = 0 : i64, scratch_operands = 21 : i64, tpu.core_type = #tpu.core_type<sc_vector_subcore>, window_params = [{transform_indices = #map}, {transform_indices = #map1}, {transform_indices = #map1}, {transform_indices = #map}, {transform_indices = #map2}]} {
    %mul3A = arith.constant 16 : i32
    %mul3A_0 = arith.muli %arg0, %mul3A : i32
    %add3A = arith.addi %mul3A_0, %arg1 : i32
    %mul3A_1 = arith.constant 10000 : i32
    %mul3A_2 = arith.muli %add3A, %mul3A_1 : i32
    %add3A_3 = arith.constant 0 : i32
    %add3A_4 = arith.addi %mul3A_2, %add3A_3 : i32
    %dma_start3A = tpu.memref_slice %arg3[%add3A_4] : memref<320000xi32, #tpu.memory_space<hbm>> -> memref<80xi32, #tpu.memory_space<hbm>>
    %dma_start3A_5 = tpu.memref_slice %arg3[%add3A_4] : memref<320000xi32, #tpu.memory_space<hbm>> -> memref<80xi32, #tpu.memory_space<hbm>>
    tpu.enqueue_dma source(%dma_start3A_5 : memref<80xi32, #tpu.memory_space<hbm>>) target(%arg7 : memref<80xi32, #tpu.memory_space<vmem>>) target_semaphore(%arg20 : memref<!tpu.dma_semaphore, #tpu.memory_space<semaphore_mem>>)
    %add3A_6 = arith.constant 0 : i32
    %add3A_7 = arith.addi %mul3A_2, %add3A_6 : i32
    %dma_start3A_8 = tpu.memref_slice %arg4[%add3A_7] : memref<320000xi32, #tpu.memory_space<hbm>> -> memref<80xi32, #tpu.memory_space<hbm>>
    %dma_start3A_9 = tpu.memref_slice %arg4[%add3A_7] : memref<320000xi32, #tpu.memory_space<hbm>> -> memref<80xi32, #tpu.memory_space<hbm>>
    tpu.enqueue_dma source(%dma_start3A_9 : memref<80xi32, #tpu.memory_space<hbm>>) target(%arg11 : memref<80xi32, #tpu.memory_space<vmem>>) target_semaphore(%arg20 : memref<!tpu.dma_semaphore, #tpu.memory_space<semaphore_mem>>)
    %add3A_10 = arith.constant 80 : i32
    %add3A_11 = arith.addi %mul3A_2, %add3A_10 : i32
    %dma_start3A_12 = tpu.memref_slice %arg3[%add3A_11] : memref<320000xi32, #tpu.memory_space<hbm>> -> memref<80xi32, #tpu.memory_space<hbm>>
    %dma_start3A_13 = tpu.memref_slice %arg3[%add3A_11] : memref<320000xi32, #tpu.memory_space<hbm>> -> memref<80xi32, #tpu.memory_space<hbm>>
    tpu.enqueue_dma source(%dma_start3A_13 : memref<80xi32, #tpu.memory_space<hbm>>) target(%arg8 : memref<80xi32, #tpu.memory_space<vmem>>) target_semaphore(%arg21 : memref<!tpu.dma_semaphore, #tpu.memory_space<semaphore_mem>>)
    %add3A_14 = arith.constant 80 : i32
    %add3A_15 = arith.addi %mul3A_2, %add3A_14 : i32
    %dma_start3A_16 = tpu.memref_slice %arg4[%add3A_15] : memref<320000xi32, #tpu.memory_space<hbm>> -> memref<80xi32, #tpu.memory_space<hbm>>
    %dma_start3A_17 = tpu.memref_slice %arg4[%add3A_15] : memref<320000xi32, #tpu.memory_space<hbm>> -> memref<80xi32, #tpu.memory_space<hbm>>
    tpu.enqueue_dma source(%dma_start3A_17 : memref<80xi32, #tpu.memory_space<hbm>>) target(%arg12 : memref<80xi32, #tpu.memory_space<vmem>>) target_semaphore(%arg21 : memref<!tpu.dma_semaphore, #tpu.memory_space<semaphore_mem>>)
    %add3A_18 = arith.constant 160 : i32
    %add3A_19 = arith.addi %mul3A_2, %add3A_18 : i32
    %dma_start3A_20 = tpu.memref_slice %arg3[%add3A_19] : memref<320000xi32, #tpu.memory_space<hbm>> -> memref<80xi32, #tpu.memory_space<hbm>>
    %dma_start3A_21 = tpu.memref_slice %arg3[%add3A_19] : memref<320000xi32, #tpu.memory_space<hbm>> -> memref<80xi32, #tpu.memory_space<hbm>>
    tpu.enqueue_dma source(%dma_start3A_21 : memref<80xi32, #tpu.memory_space<hbm>>) target(%arg9 : memref<80xi32, #tpu.memory_space<vmem>>) target_semaphore(%arg22 : memref<!tpu.dma_semaphore, #tpu.memory_space<semaphore_mem>>)
    %add3A_22 = arith.constant 160 : i32
    %add3A_23 = arith.addi %mul3A_2, %add3A_22 : i32
    %dma_start3A_24 = tpu.memref_slice %arg4[%add3A_23] : memref<320000xi32, #tpu.memory_space<hbm>> -> memref<80xi32, #tpu.memory_space<hbm>>
    %dma_start3A_25 = tpu.memref_slice %arg4[%add3A_23] : memref<320000xi32, #tpu.memory_space<hbm>> -> memref<80xi32, #tpu.memory_space<hbm>>
    tpu.enqueue_dma source(%dma_start3A_25 : memref<80xi32, #tpu.memory_space<hbm>>) target(%arg13 : memref<80xi32, #tpu.memory_space<vmem>>) target_semaphore(%arg22 : memref<!tpu.dma_semaphore, #tpu.memory_space<semaphore_mem>>)
    %add3A_26 = arith.constant 240 : i32
    %add3A_27 = arith.addi %mul3A_2, %add3A_26 : i32
    %dma_start3A_28 = tpu.memref_slice %arg3[%add3A_27] : memref<320000xi32, #tpu.memory_space<hbm>> -> memref<80xi32, #tpu.memory_space<hbm>>
    %dma_start3A_29 = tpu.memref_slice %arg3[%add3A_27] : memref<320000xi32, #tpu.memory_space<hbm>> -> memref<80xi32, #tpu.memory_space<hbm>>
    tpu.enqueue_dma source(%dma_start3A_29 : memref<80xi32, #tpu.memory_space<hbm>>) target(%arg10 : memref<80xi32, #tpu.memory_space<vmem>>) target_semaphore(%arg23 : memref<!tpu.dma_semaphore, #tpu.memory_space<semaphore_mem>>)
    %add3A_30 = arith.constant 240 : i32
    %add3A_31 = arith.addi %mul3A_2, %add3A_30 : i32
    %dma_start3A_32 = tpu.memref_slice %arg4[%add3A_31] : memref<320000xi32, #tpu.memory_space<hbm>> -> memref<80xi32, #tpu.memory_space<hbm>>
    %dma_start3A_33 = tpu.memref_slice %arg4[%add3A_31] : memref<320000xi32, #tpu.memory_space<hbm>> -> memref<80xi32, #tpu.memory_space<hbm>>
    tpu.enqueue_dma source(%dma_start3A_33 : memref<80xi32, #tpu.memory_space<hbm>>) target(%arg14 : memref<80xi32, #tpu.memory_space<vmem>>) target_semaphore(%arg23 : memref<!tpu.dma_semaphore, #tpu.memory_space<semaphore_mem>>)
    %mul3A_34 = arith.constant 632 : i32
    %mul3A_35 = arith.muli %arg1, %mul3A_34 : i32
    %mul3A_36 = arith.constant 632 : i32
    %mul3A_37 = arith.muli %arg1, %mul3A_36 : i32
    "tpu.region"() ({
      %run_scoped3A = tpu.sem_alloc : memref<!tpu.dma_semaphore, #tpu.memory_space<semaphore_mem>>
      %dma_start3A_83 = arith.constant 0 : i32
      %dma_start3A_84 = tpu.memref_slice %arg19[%mul3A_37, %dma_start3A_83] : memref<10112x128xf32, #tpu.memory_space<vmem_shared>> -> memref<632x128xf32, #tpu.memory_space<vmem_shared>>
      %dma_start3A_85 = arith.constant 0 : i32
      %dma_start3A_86 = tpu.memref_slice %arg5[%mul3A_35, %dma_start3A_85] : memref<10112x128xf32, #tpu.memory_space<hbm>> -> memref<632x128xf32, #tpu.memory_space<hbm>>
      tpu.enqueue_dma source(%dma_start3A_86 : memref<632x128xf32, #tpu.memory_space<hbm>>) target(%dma_start3A_84 : memref<632x128xf32, #tpu.memory_space<vmem_shared>>) target_semaphore(%run_scoped3A : memref<!tpu.dma_semaphore, #tpu.memory_space<semaphore_mem>>)
      %dma_wait3A_87 = arith.constant 0 : i32
      %dma_wait3A_88 = tpu.memref_slice %arg19[%mul3A_37, %dma_wait3A_87] : memref<10112x128xf32, #tpu.memory_space<vmem_shared>> -> memref<632x128xf32, #tpu.memory_space<vmem_shared>>
      %dma_wait3A_89 = arith.constant 0 : i32
      %dma_wait3A_90 = tpu.memref_slice %arg5[%mul3A_35, %dma_wait3A_89] : memref<10112x128xf32, #tpu.memory_space<hbm>> -> memref<632x128xf32, #tpu.memory_space<hbm>>
      tpu.wait_dma2 semaphore(%run_scoped3A : memref<!tpu.dma_semaphore, #tpu.memory_space<semaphore_mem>>) src(%dma_wait3A_90 : memref<632x128xf32, #tpu.memory_space<hbm>>) dst(%dma_wait3A_88 : memref<632x128xf32, #tpu.memory_space<vmem_shared>>)
      tpu.yield
    }) : () -> ()
    %dma_wait3A = arith.constant 0 : i32
    %dma_wait3A_38 = tpu.memref_slice %arg3[%dma_wait3A] : memref<320000xi32, #tpu.memory_space<hbm>> -> memref<80xi32, #tpu.memory_space<hbm>>
    %dma_wait3A_39 = arith.constant 0 : i32
    %dma_wait3A_40 = tpu.memref_slice %arg3[%dma_wait3A_39] : memref<320000xi32, #tpu.memory_space<hbm>> -> memref<80xi32, #tpu.memory_space<hbm>>
    tpu.wait_dma2 semaphore(%arg20 : memref<!tpu.dma_semaphore, #tpu.memory_space<semaphore_mem>>) src(%dma_wait3A_40 : memref<80xi32, #tpu.memory_space<hbm>>) dst(%arg7 : memref<80xi32, #tpu.memory_space<vmem>>)
    %dma_wait3A_41 = arith.constant 0 : i32
    %dma_wait3A_42 = tpu.memref_slice %arg4[%dma_wait3A_41] : memref<320000xi32, #tpu.memory_space<hbm>> -> memref<80xi32, #tpu.memory_space<hbm>>
    %dma_wait3A_43 = arith.constant 0 : i32
    %dma_wait3A_44 = tpu.memref_slice %arg4[%dma_wait3A_43] : memref<320000xi32, #tpu.memory_space<hbm>> -> memref<80xi32, #tpu.memory_space<hbm>>
    tpu.wait_dma2 semaphore(%arg20 : memref<!tpu.dma_semaphore, #tpu.memory_space<semaphore_mem>>) src(%dma_wait3A_44 : memref<80xi32, #tpu.memory_space<hbm>>) dst(%arg11 : memref<80xi32, #tpu.memory_space<vmem>>)
    %dma_start3A_45 = arith.constant 0 : i32
    %dma_start3A_46 = arith.constant 0 : i32
    %dma_start3A_47 = tpu.memref_slice %arg2[%dma_start3A_45, %dma_start3A_46] : memref<10000x128xf32, #tpu.memory_space<hbm>> -> memref<10000x128xf32, #tpu.memory_space<hbm>>
    tpu.enqueue_indirect_dma source(%dma_start3A_47 : memref<10000x128xf32, #tpu.memory_space<hbm>>) target(%arg15 : memref<80x128xf32, #tpu.memory_space<vmem>>) offsets(%arg7 : memref<80xi32, #tpu.memory_space<vmem>>) semaphore(%arg24 : memref<!tpu.dma_semaphore, #tpu.memory_space<semaphore_mem>>)
    %dma_wait3A_48 = arith.constant 0 : i32
    %dma_wait3A_49 = tpu.memref_slice %arg3[%dma_wait3A_48] : memref<320000xi32, #tpu.memory_space<hbm>> -> memref<80xi32, #tpu.memory_space<hbm>>
    %dma_wait3A_50 = arith.constant 0 : i32
    %dma_wait3A_51 = tpu.memref_slice %arg3[%dma_wait3A_50] : memref<320000xi32, #tpu.memory_space<hbm>> -> memref<80xi32, #tpu.memory_space<hbm>>
    tpu.wait_dma2 semaphore(%arg21 : memref<!tpu.dma_semaphore, #tpu.memory_space<semaphore_mem>>) src(%dma_wait3A_51 : memref<80xi32, #tpu.memory_space<hbm>>) dst(%arg8 : memref<80xi32, #tpu.memory_space<vmem>>)
    %dma_wait3A_52 = arith.constant 0 : i32
    %dma_wait3A_53 = tpu.memref_slice %arg4[%dma_wait3A_52] : memref<320000xi32, #tpu.memory_space<hbm>> -> memref<80xi32, #tpu.memory_space<hbm>>
    %dma_wait3A_54 = arith.constant 0 : i32
    %dma_wait3A_55 = tpu.memref_slice %arg4[%dma_wait3A_54] : memref<320000xi32, #tpu.memory_space<hbm>> -> memref<80xi32, #tpu.memory_space<hbm>>
    tpu.wait_dma2 semaphore(%arg21 : memref<!tpu.dma_semaphore, #tpu.memory_space<semaphore_mem>>) src(%dma_wait3A_55 : memref<80xi32, #tpu.memory_space<hbm>>) dst(%arg12 : memref<80xi32, #tpu.memory_space<vmem>>)
    %dma_start3A_56 = arith.constant 0 : i32
    %dma_start3A_57 = arith.constant 0 : i32
    %dma_start3A_58 = tpu.memref_slice %arg2[%dma_start3A_56, %dma_start3A_57] : memref<10000x128xf32, #tpu.memory_space<hbm>> -> memref<10000x128xf32, #tpu.memory_space<hbm>>
    tpu.enqueue_indirect_dma source(%dma_start3A_58 : memref<10000x128xf32, #tpu.memory_space<hbm>>) target(%arg16 : memref<80x128xf32, #tpu.memory_space<vmem>>) offsets(%arg8 : memref<80xi32, #tpu.memory_space<vmem>>) semaphore(%arg25 : memref<!tpu.dma_semaphore, #tpu.memory_space<semaphore_mem>>)
    %dma_wait3A_59 = arith.constant 0 : i32
    %dma_wait3A_60 = tpu.memref_slice %arg3[%dma_wait3A_59] : memref<320000xi32, #tpu.memory_space<hbm>> -> memref<80xi32, #tpu.memory_space<hbm>>
    %dma_wait3A_61 = arith.constant 0 : i32
    %dma_wait3A_62 = tpu.memref_slice %arg3[%dma_wait3A_61] : memref<320000xi32, #tpu.memory_space<hbm>> -> memref<80xi32, #tpu.memory_space<hbm>>
    tpu.wait_dma2 semaphore(%arg22 : memref<!tpu.dma_semaphore, #tpu.memory_space<semaphore_mem>>) src(%dma_wait3A_62 : memref<80xi32, #tpu.memory_space<hbm>>) dst(%arg9 : memref<80xi32, #tpu.memory_space<vmem>>)
    %dma_wait3A_63 = arith.constant 0 : i32
    %dma_wait3A_64 = tpu.memref_slice %arg4[%dma_wait3A_63] : memref<320000xi32, #tpu.memory_space<hbm>> -> memref<80xi32, #tpu.memory_space<hbm>>
    %dma_wait3A_65 = arith.constant 0 : i32
    %dma_wait3A_66 = tpu.memref_slice %arg4[%dma_wait3A_65] : memref<320000xi32, #tpu.memory_space<hbm>> -> memref<80xi32, #tpu.memory_space<hbm>>
    tpu.wait_dma2 semaphore(%arg22 : memref<!tpu.dma_semaphore, #tpu.memory_space<semaphore_mem>>) src(%dma_wait3A_66 : memref<80xi32, #tpu.memory_space<hbm>>) dst(%arg13 : memref<80xi32, #tpu.memory_space<vmem>>)
    %dma_start3A_67 = arith.constant 0 : i32
    %dma_start3A_68 = arith.constant 0 : i32
    %dma_start3A_69 = tpu.memref_slice %arg2[%dma_start3A_67, %dma_start3A_68] : memref<10000x128xf32, #tpu.memory_space<hbm>> -> memref<10000x128xf32, #tpu.memory_space<hbm>>
    tpu.enqueue_indirect_dma source(%dma_start3A_69 : memref<10000x128xf32, #tpu.memory_space<hbm>>) target(%arg17 : memref<80x128xf32, #tpu.memory_space<vmem>>) offsets(%arg9 : memref<80xi32, #tpu.memory_space<vmem>>) semaphore(%arg26 : memref<!tpu.dma_semaphore, #tpu.memory_space<semaphore_mem>>)
    %barrier3A = arith.constant 0 : index
    tpu.barrier barrier_id(%barrier3A)
    %scan3A = arith.constant 0 : i32
    %scan3A_70 = arith.constant 0 : i32
    %scan3A_71 = arith.constant 31 : i32
    %scan3A_72 = arith.addi %scan3A_70, %scan3A_71 : i32
    %scan3A_73 = arith.constant 1 : i32
    scf.for %scan3A_83 = %scan3A_70 to %scan3A_72 step %scan3A_73  : i32 {
      %mul3A_84 = arith.constant 4 : i32
      %mul3A_85 = arith.muli %mul3A_84, %scan3A_83 : i32
      %add3A_86 = arith.constant 0 : i32
      %add3A_87 = arith.addi %mul3A_85, %add3A_86 : i32
      %dma_wait3A_88 = arith.constant 0 : i32
      %dma_wait3A_89 = arith.constant 0 : i32
      %dma_wait3A_90 = tpu.memref_slice %arg2[%dma_wait3A_88, %dma_wait3A_89] : memref<10000x128xf32, #tpu.memory_space<hbm>> -> memref<10000x128xf32, #tpu.memory_space<hbm>>
      tpu.wait_indirect_dma semaphore(%arg24 : memref<!tpu.dma_semaphore, #tpu.memory_space<semaphore_mem>>) src(%dma_wait3A_90 : memref<10000x128xf32, #tpu.memory_space<hbm>>) dst(%arg15 : memref<80x128xf32, #tpu.memory_space<vmem>>)
      "tpu.region"() ({
        %run_scoped3A = tpu.sem_alloc : memref<!tpu.dma_semaphore, #tpu.memory_space<semaphore_mem>>
        %dma_start3A_172 = arith.constant 0 : i32
        %dma_start3A_173 = arith.constant 0 : i32
        %dma_start3A_174 = tpu.memref_slice %arg19[%dma_start3A_172, %dma_start3A_173] : memref<10112x128xf32, #tpu.memory_space<vmem_shared>> -> memref<10112x128xf32, #tpu.memory_space<vmem_shared>>
        tpu.enqueue_indirect_dma source(%arg15 : memref<80x128xf32, #tpu.memory_space<vmem>>) target(%dma_start3A_174 : memref<10112x128xf32, #tpu.memory_space<vmem_shared>>) offsets(%arg11 : memref<80xi32, #tpu.memory_space<vmem>>) semaphore(%run_scoped3A : memref<!tpu.dma_semaphore, #tpu.memory_space<semaphore_mem>>) {add = true}
        %dma_wait3A_175 = arith.constant 0 : i32
        %dma_wait3A_176 = arith.constant 0 : i32
        %dma_wait3A_177 = tpu.memref_slice %arg19[%dma_wait3A_175, %dma_wait3A_176] : memref<10112x128xf32, #tpu.memory_space<vmem_shared>> -> memref<10112x128xf32, #tpu.memory_space<vmem_shared>>
        tpu.wait_indirect_dma semaphore(%run_scoped3A : memref<!tpu.dma_semaphore, #tpu.memory_space<semaphore_mem>>) src(%arg15 : memref<80x128xf32, #tpu.memory_space<vmem>>) dst(%dma_wait3A_177 : memref<10112x128xf32, #tpu.memory_space<vmem_shared>>)
        tpu.yield
      }) : () -> ()
      %add3A_91 = arith.constant 4 : i32
      %add3A_92 = arith.addi %add3A_87, %add3A_91 : i32
      %lt3A = arith.constant 125 : i32
      %lt3A_93 = arith.cmpi slt, %add3A_92, %lt3A : i32
      %convert_element_type3A = arith.extui %lt3A_93 : i1 to i32
      %cond3A = arith.constant 0 : i32
      %cond3A_94 = arith.cmpi ne, %convert_element_type3A, %cond3A : i32
      scf.if %cond3A_94 {
        %add3A_172 = arith.constant 4 : i32
        %add3A_173 = arith.addi %add3A_87, %add3A_172 : i32
        %mul3A_174 = arith.constant 80 : i32
        %mul3A_175 = arith.muli %add3A_173, %mul3A_174 : i32
        %add3A_176 = arith.addi %mul3A_2, %mul3A_175 : i32
        %dma_start3A_177 = tpu.memref_slice %arg3[%add3A_176] : memref<320000xi32, #tpu.memory_space<hbm>> -> memref<80xi32, #tpu.memory_space<hbm>>
        %dma_start3A_178 = tpu.memref_slice %arg3[%add3A_176] : memref<320000xi32, #tpu.memory_space<hbm>> -> memref<80xi32, #tpu.memory_space<hbm>>
        tpu.enqueue_dma source(%dma_start3A_178 : memref<80xi32, #tpu.memory_space<hbm>>) target(%arg7 : memref<80xi32, #tpu.memory_space<vmem>>) target_semaphore(%arg20 : memref<!tpu.dma_semaphore, #tpu.memory_space<semaphore_mem>>)
        %mul3A_179 = arith.constant 80 : i32
        %mul3A_180 = arith.muli %add3A_173, %mul3A_179 : i32
        %add3A_181 = arith.addi %mul3A_2, %mul3A_180 : i32
        %dma_start3A_182 = tpu.memref_slice %arg4[%add3A_181] : memref<320000xi32, #tpu.memory_space<hbm>> -> memref<80xi32, #tpu.memory_space<hbm>>
        %dma_start3A_183 = tpu.memref_slice %arg4[%add3A_181] : memref<320000xi32, #tpu.memory_space<hbm>> -> memref<80xi32, #tpu.memory_space<hbm>>
        tpu.enqueue_dma source(%dma_start3A_183 : memref<80xi32, #tpu.memory_space<hbm>>) target(%arg11 : memref<80xi32, #tpu.memory_space<vmem>>) target_semaphore(%arg20 : memref<!tpu.dma_semaphore, #tpu.memory_space<semaphore_mem>>)
      } else {
      }
      %add3A_95 = arith.constant 4 : i32
      %add3A_96 = arith.addi %add3A_87, %add3A_95 : i32
      %sub3A = arith.constant 1 : i32
      %sub3A_97 = arith.subi %add3A_96, %sub3A : i32
      %lt3A_98 = arith.constant 125 : i32
      %lt3A_99 = arith.cmpi slt, %sub3A_97, %lt3A_98 : i32
      %convert_element_type3A_100 = arith.extui %lt3A_99 : i1 to i32
      %cond3A_101 = arith.constant 0 : i32
      %cond3A_102 = arith.cmpi ne, %convert_element_type3A_100, %cond3A_101 : i32
      scf.if %cond3A_102 {
        %dma_wait3A_172 = arith.constant 0 : i32
        %dma_wait3A_173 = tpu.memref_slice %arg3[%dma_wait3A_172] : memref<320000xi32, #tpu.memory_space<hbm>> -> memref<80xi32, #tpu.memory_space<hbm>>
        %dma_wait3A_174 = arith.constant 0 : i32
        %dma_wait3A_175 = tpu.memref_slice %arg3[%dma_wait3A_174] : memref<320000xi32, #tpu.memory_space<hbm>> -> memref<80xi32, #tpu.memory_space<hbm>>
        tpu.wait_dma2 semaphore(%arg23 : memref<!tpu.dma_semaphore, #tpu.memory_space<semaphore_mem>>) src(%dma_wait3A_175 : memref<80xi32, #tpu.memory_space<hbm>>) dst(%arg10 : memref<80xi32, #tpu.memory_space<vmem>>)
        %dma_wait3A_176 = arith.constant 0 : i32
        %dma_wait3A_177 = tpu.memref_slice %arg4[%dma_wait3A_176] : memref<320000xi32, #tpu.memory_space<hbm>> -> memref<80xi32, #tpu.memory_space<hbm>>
        %dma_wait3A_178 = arith.constant 0 : i32
        %dma_wait3A_179 = tpu.memref_slice %arg4[%dma_wait3A_178] : memref<320000xi32, #tpu.memory_space<hbm>> -> memref<80xi32, #tpu.memory_space<hbm>>
        tpu.wait_dma2 semaphore(%arg23 : memref<!tpu.dma_semaphore, #tpu.memory_space<semaphore_mem>>) src(%dma_wait3A_179 : memref<80xi32, #tpu.memory_space<hbm>>) dst(%arg14 : memref<80xi32, #tpu.memory_space<vmem>>)
        %dma_start3A_180 = arith.constant 0 : i32
        %dma_start3A_181 = arith.constant 0 : i32
        %dma_start3A_182 = tpu.memref_slice %arg2[%dma_start3A_180, %dma_start3A_181] : memref<10000x128xf32, #tpu.memory_space<hbm>> -> memref<10000x128xf32, #tpu.memory_space<hbm>>
        tpu.enqueue_indirect_dma source(%dma_start3A_182 : memref<10000x128xf32, #tpu.memory_space<hbm>>) target(%arg18 : memref<80x128xf32, #tpu.memory_space<vmem>>) offsets(%arg10 : memref<80xi32, #tpu.memory_space<vmem>>) semaphore(%arg27 : memref<!tpu.dma_semaphore, #tpu.memory_space<semaphore_mem>>)
      } else {
      }
      %mul3A_103 = arith.constant 4 : i32
      %mul3A_104 = arith.muli %mul3A_103, %scan3A_83 : i32
      %add3A_105 = arith.constant 1 : i32
      %add3A_106 = arith.addi %mul3A_104, %add3A_105 : i32
      %dma_wait3A_107 = arith.constant 0 : i32
      %dma_wait3A_108 = arith.constant 0 : i32
      %dma_wait3A_109 = tpu.memref_slice %arg2[%dma_wait3A_107, %dma_wait3A_108] : memref<10000x128xf32, #tpu.memory_space<hbm>> -> memref<10000x128xf32, #tpu.memory_space<hbm>>
      tpu.wait_indirect_dma semaphore(%arg25 : memref<!tpu.dma_semaphore, #tpu.memory_space<semaphore_mem>>) src(%dma_wait3A_109 : memref<10000x128xf32, #tpu.memory_space<hbm>>) dst(%arg16 : memref<80x128xf32, #tpu.memory_space<vmem>>)
      "tpu.region"() ({
        %run_scoped3A = tpu.sem_alloc : memref<!tpu.dma_semaphore, #tpu.memory_space<semaphore_mem>>
        %dma_start3A_172 = arith.constant 0 : i32
        %dma_start3A_173 = arith.constant 0 : i32
        %dma_start3A_174 = tpu.memref_slice %arg19[%dma_start3A_172, %dma_start3A_173] : memref<10112x128xf32, #tpu.memory_space<vmem_shared>> -> memref<10112x128xf32, #tpu.memory_space<vmem_shared>>
        tpu.enqueue_indirect_dma source(%arg16 : memref<80x128xf32, #tpu.memory_space<vmem>>) target(%dma_start3A_174 : memref<10112x128xf32, #tpu.memory_space<vmem_shared>>) offsets(%arg12 : memref<80xi32, #tpu.memory_space<vmem>>) semaphore(%run_scoped3A : memref<!tpu.dma_semaphore, #tpu.memory_space<semaphore_mem>>) {add = true}
        %dma_wait3A_175 = arith.constant 0 : i32
        %dma_wait3A_176 = arith.constant 0 : i32
        %dma_wait3A_177 = tpu.memref_slice %arg19[%dma_wait3A_175, %dma_wait3A_176] : memref<10112x128xf32, #tpu.memory_space<vmem_shared>> -> memref<10112x128xf32, #tpu.memory_space<vmem_shared>>
        tpu.wait_indirect_dma semaphore(%run_scoped3A : memref<!tpu.dma_semaphore, #tpu.memory_space<semaphore_mem>>) src(%arg16 : memref<80x128xf32, #tpu.memory_space<vmem>>) dst(%dma_wait3A_177 : memref<10112x128xf32, #tpu.memory_space<vmem_shared>>)
        tpu.yield
      }) : () -> ()
      %add3A_110 = arith.constant 4 : i32
      %add3A_111 = arith.addi %add3A_106, %add3A_110 : i32
      %lt3A_112 = arith.constant 125 : i32
      %lt3A_113 = arith.cmpi slt, %add3A_111, %lt3A_112 : i32
      %convert_element_type3A_114 = arith.extui %lt3A_113 : i1 to i32
      %cond3A_115 = arith.constant 0 : i32
      %cond3A_116 = arith.cmpi ne, %convert_element_type3A_114, %cond3A_115 : i32
      scf.if %cond3A_116 {
        %add3A_172 = arith.constant 4 : i32
        %add3A_173 = arith.addi %add3A_106, %add3A_172 : i32
        %mul3A_174 = arith.constant 80 : i32
        %mul3A_175 = arith.muli %add3A_173, %mul3A_174 : i32
        %add3A_176 = arith.addi %mul3A_2, %mul3A_175 : i32
        %dma_start3A_177 = tpu.memref_slice %arg3[%add3A_176] : memref<320000xi32, #tpu.memory_space<hbm>> -> memref<80xi32, #tpu.memory_space<hbm>>
        %dma_start3A_178 = tpu.memref_slice %arg3[%add3A_176] : memref<320000xi32, #tpu.memory_space<hbm>> -> memref<80xi32, #tpu.memory_space<hbm>>
        tpu.enqueue_dma source(%dma_start3A_178 : memref<80xi32, #tpu.memory_space<hbm>>) target(%arg8 : memref<80xi32, #tpu.memory_space<vmem>>) target_semaphore(%arg21 : memref<!tpu.dma_semaphore, #tpu.memory_space<semaphore_mem>>)
        %mul3A_179 = arith.constant 80 : i32
        %mul3A_180 = arith.muli %add3A_173, %mul3A_179 : i32
        %add3A_181 = arith.addi %mul3A_2, %mul3A_180 : i32
        %dma_start3A_182 = tpu.memref_slice %arg4[%add3A_181] : memref<320000xi32, #tpu.memory_space<hbm>> -> memref<80xi32, #tpu.memory_space<hbm>>
        %dma_start3A_183 = tpu.memref_slice %arg4[%add3A_181] : memref<320000xi32, #tpu.memory_space<hbm>> -> memref<80xi32, #tpu.memory_space<hbm>>
        tpu.enqueue_dma source(%dma_start3A_183 : memref<80xi32, #tpu.memory_space<hbm>>) target(%arg12 : memref<80xi32, #tpu.memory_space<vmem>>) target_semaphore(%arg21 : memref<!tpu.dma_semaphore, #tpu.memory_space<semaphore_mem>>)
      } else {
      }
      %add3A_117 = arith.constant 4 : i32
      %add3A_118 = arith.addi %add3A_106, %add3A_117 : i32
      %sub3A_119 = arith.constant 1 : i32
      %sub3A_120 = arith.subi %add3A_118, %sub3A_119 : i32
      %lt3A_121 = arith.constant 125 : i32
      %lt3A_122 = arith.cmpi slt, %sub3A_120, %lt3A_121 : i32
      %convert_element_type3A_123 = arith.extui %lt3A_122 : i1 to i32
      %cond3A_124 = arith.constant 0 : i32
      %cond3A_125 = arith.cmpi ne, %convert_element_type3A_123, %cond3A_124 : i32
      scf.if %cond3A_125 {
        %dma_wait3A_172 = arith.constant 0 : i32
        %dma_wait3A_173 = tpu.memref_slice %arg3[%dma_wait3A_172] : memref<320000xi32, #tpu.memory_space<hbm>> -> memref<80xi32, #tpu.memory_space<hbm>>
        %dma_wait3A_174 = arith.constant 0 : i32
        %dma_wait3A_175 = tpu.memref_slice %arg3[%dma_wait3A_174] : memref<320000xi32, #tpu.memory_space<hbm>> -> memref<80xi32, #tpu.memory_space<hbm>>
        tpu.wait_dma2 semaphore(%arg20 : memref<!tpu.dma_semaphore, #tpu.memory_space<semaphore_mem>>) src(%dma_wait3A_175 : memref<80xi32, #tpu.memory_space<hbm>>) dst(%arg7 : memref<80xi32, #tpu.memory_space<vmem>>)
        %dma_wait3A_176 = arith.constant 0 : i32
        %dma_wait3A_177 = tpu.memref_slice %arg4[%dma_wait3A_176] : memref<320000xi32, #tpu.memory_space<hbm>> -> memref<80xi32, #tpu.memory_space<hbm>>
        %dma_wait3A_178 = arith.constant 0 : i32
        %dma_wait3A_179 = tpu.memref_slice %arg4[%dma_wait3A_178] : memref<320000xi32, #tpu.memory_space<hbm>> -> memref<80xi32, #tpu.memory_space<hbm>>
        tpu.wait_dma2 semaphore(%arg20 : memref<!tpu.dma_semaphore, #tpu.memory_space<semaphore_mem>>) src(%dma_wait3A_179 : memref<80xi32, #tpu.memory_space<hbm>>) dst(%arg11 : memref<80xi32, #tpu.memory_space<vmem>>)
        %dma_start3A_180 = arith.constant 0 : i32
        %dma_start3A_181 = arith.constant 0 : i32
        %dma_start3A_182 = tpu.memref_slice %arg2[%dma_start3A_180, %dma_start3A_181] : memref<10000x128xf32, #tpu.memory_space<hbm>> -> memref<10000x128xf32, #tpu.memory_space<hbm>>
        tpu.enqueue_indirect_dma source(%dma_start3A_182 : memref<10000x128xf32, #tpu.memory_space<hbm>>) target(%arg15 : memref<80x128xf32, #tpu.memory_space<vmem>>) offsets(%arg7 : memref<80xi32, #tpu.memory_space<vmem>>) semaphore(%arg24 : memref<!tpu.dma_semaphore, #tpu.memory_space<semaphore_mem>>)
      } else {
      }
      %mul3A_126 = arith.constant 4 : i32
      %mul3A_127 = arith.muli %mul3A_126, %scan3A_83 : i32
      %add3A_128 = arith.constant 2 : i32
      %add3A_129 = arith.addi %mul3A_127, %add3A_128 : i32
      %dma_wait3A_130 = arith.constant 0 : i32
      %dma_wait3A_131 = arith.constant 0 : i32
      %dma_wait3A_132 = tpu.memref_slice %arg2[%dma_wait3A_130, %dma_wait3A_131] : memref<10000x128xf32, #tpu.memory_space<hbm>> -> memref<10000x128xf32, #tpu.memory_space<hbm>>
      tpu.wait_indirect_dma semaphore(%arg26 : memref<!tpu.dma_semaphore, #tpu.memory_space<semaphore_mem>>) src(%dma_wait3A_132 : memref<10000x128xf32, #tpu.memory_space<hbm>>) dst(%arg17 : memref<80x128xf32, #tpu.memory_space<vmem>>)
      "tpu.region"() ({
        %run_scoped3A = tpu.sem_alloc : memref<!tpu.dma_semaphore, #tpu.memory_space<semaphore_mem>>
        %dma_start3A_172 = arith.constant 0 : i32
        %dma_start3A_173 = arith.constant 0 : i32
        %dma_start3A_174 = tpu.memref_slice %arg19[%dma_start3A_172, %dma_start3A_173] : memref<10112x128xf32, #tpu.memory_space<vmem_shared>> -> memref<10112x128xf32, #tpu.memory_space<vmem_shared>>
        tpu.enqueue_indirect_dma source(%arg17 : memref<80x128xf32, #tpu.memory_space<vmem>>) target(%dma_start3A_174 : memref<10112x128xf32, #tpu.memory_space<vmem_shared>>) offsets(%arg13 : memref<80xi32, #tpu.memory_space<vmem>>) semaphore(%run_scoped3A : memref<!tpu.dma_semaphore, #tpu.memory_space<semaphore_mem>>) {add = true}
        %dma_wait3A_175 = arith.constant 0 : i32
        %dma_wait3A_176 = arith.constant 0 : i32
        %dma_wait3A_177 = tpu.memref_slice %arg19[%dma_wait3A_175, %dma_wait3A_176] : memref<10112x128xf32, #tpu.memory_space<vmem_shared>> -> memref<10112x128xf32, #tpu.memory_space<vmem_shared>>
        tpu.wait_indirect_dma semaphore(%run_scoped3A : memref<!tpu.dma_semaphore, #tpu.memory_space<semaphore_mem>>) src(%arg17 : memref<80x128xf32, #tpu.memory_space<vmem>>) dst(%dma_wait3A_177 : memref<10112x128xf32, #tpu.memory_space<vmem_shared>>)
        tpu.yield
      }) : () -> ()
      %add3A_133 = arith.constant 4 : i32
      %add3A_134 = arith.addi %add3A_129, %add3A_133 : i32
      %lt3A_135 = arith.constant 125 : i32
      %lt3A_136 = arith.cmpi slt, %add3A_134, %lt3A_135 : i32
      %convert_element_type3A_137 = arith.extui %lt3A_136 : i1 to i32
      %cond3A_138 = arith.constant 0 : i32
      %cond3A_139 = arith.cmpi ne, %convert_element_type3A_137, %cond3A_138 : i32
      scf.if %cond3A_139 {
        %add3A_172 = arith.constant 4 : i32
        %add3A_173 = arith.addi %add3A_129, %add3A_172 : i32
        %mul3A_174 = arith.constant 80 : i32
        %mul3A_175 = arith.muli %add3A_173, %mul3A_174 : i32
        %add3A_176 = arith.addi %mul3A_2, %mul3A_175 : i32
        %dma_start3A_177 = tpu.memref_slice %arg3[%add3A_176] : memref<320000xi32, #tpu.memory_space<hbm>> -> memref<80xi32, #tpu.memory_space<hbm>>
        %dma_start3A_178 = tpu.memref_slice %arg3[%add3A_176] : memref<320000xi32, #tpu.memory_space<hbm>> -> memref<80xi32, #tpu.memory_space<hbm>>
        tpu.enqueue_dma source(%dma_start3A_178 : memref<80xi32, #tpu.memory_space<hbm>>) target(%arg9 : memref<80xi32, #tpu.memory_space<vmem>>) target_semaphore(%arg22 : memref<!tpu.dma_semaphore, #tpu.memory_space<semaphore_mem>>)
        %mul3A_179 = arith.constant 80 : i32
        %mul3A_180 = arith.muli %add3A_173, %mul3A_179 : i32
        %add3A_181 = arith.addi %mul3A_2, %mul3A_180 : i32
        %dma_start3A_182 = tpu.memref_slice %arg4[%add3A_181] : memref<320000xi32, #tpu.memory_space<hbm>> -> memref<80xi32, #tpu.memory_space<hbm>>
        %dma_start3A_183 = tpu.memref_slice %arg4[%add3A_181] : memref<320000xi32, #tpu.memory_space<hbm>> -> memref<80xi32, #tpu.memory_space<hbm>>
        tpu.enqueue_dma source(%dma_start3A_183 : memref<80xi32, #tpu.memory_space<hbm>>) target(%arg13 : memref<80xi32, #tpu.memory_space<vmem>>) target_semaphore(%arg22 : memref<!tpu.dma_semaphore, #tpu.memory_space<semaphore_mem>>)
      } else {
      }
      %add3A_140 = arith.constant 4 : i32
      %add3A_141 = arith.addi %add3A_129, %add3A_140 : i32
      %sub3A_142 = arith.constant 1 : i32
      %sub3A_143 = arith.subi %add3A_141, %sub3A_142 : i32
      %lt3A_144 = arith.constant 125 : i32
      %lt3A_145 = arith.cmpi slt, %sub3A_143, %lt3A_144 : i32
      %convert_element_type3A_146 = arith.extui %lt3A_145 : i1 to i32
      %cond3A_147 = arith.constant 0 : i32
      %cond3A_148 = arith.cmpi ne, %convert_element_type3A_146, %cond3A_147 : i32
      scf.if %cond3A_148 {
        %dma_wait3A_172 = arith.constant 0 : i32
        %dma_wait3A_173 = tpu.memref_slice %arg3[%dma_wait3A_172] : memref<320000xi32, #tpu.memory_space<hbm>> -> memref<80xi32, #tpu.memory_space<hbm>>
        %dma_wait3A_174 = arith.constant 0 : i32
        %dma_wait3A_175 = tpu.memref_slice %arg3[%dma_wait3A_174] : memref<320000xi32, #tpu.memory_space<hbm>> -> memref<80xi32, #tpu.memory_space<hbm>>
        tpu.wait_dma2 semaphore(%arg21 : memref<!tpu.dma_semaphore, #tpu.memory_space<semaphore_mem>>) src(%dma_wait3A_175 : memref<80xi32, #tpu.memory_space<hbm>>) dst(%arg8 : memref<80xi32, #tpu.memory_space<vmem>>)
        %dma_wait3A_176 = arith.constant 0 : i32
        %dma_wait3A_177 = tpu.memref_slice %arg4[%dma_wait3A_176] : memref<320000xi32, #tpu.memory_space<hbm>> -> memref<80xi32, #tpu.memory_space<hbm>>
        %dma_wait3A_178 = arith.constant 0 : i32
        %dma_wait3A_179 = tpu.memref_slice %arg4[%dma_wait3A_178] : memref<320000xi32, #tpu.memory_space<hbm>> -> memref<80xi32, #tpu.memory_space<hbm>>
        tpu.wait_dma2 semaphore(%arg21 : memref<!tpu.dma_semaphore, #tpu.memory_space<semaphore_mem>>) src(%dma_wait3A_179 : memref<80xi32, #tpu.memory_space<hbm>>) dst(%arg12 : memref<80xi32, #tpu.memory_space<vmem>>)
        %dma_start3A_180 = arith.constant 0 : i32
        %dma_start3A_181 = arith.constant 0 : i32
        %dma_start3A_182 = tpu.memref_slice %arg2[%dma_start3A_180, %dma_start3A_181] : memref<10000x128xf32, #tpu.memory_space<hbm>> -> memref<10000x128xf32, #tpu.memory_space<hbm>>
        tpu.enqueue_indirect_dma source(%dma_start3A_182 : memref<10000x128xf32, #tpu.memory_space<hbm>>) target(%arg16 : memref<80x128xf32, #tpu.memory_space<vmem>>) offsets(%arg8 : memref<80xi32, #tpu.memory_space<vmem>>) semaphore(%arg25 : memref<!tpu.dma_semaphore, #tpu.memory_space<semaphore_mem>>)
      } else {
      }
      %mul3A_149 = arith.constant 4 : i32
      %mul3A_150 = arith.muli %mul3A_149, %scan3A_83 : i32
      %add3A_151 = arith.constant 3 : i32
      %add3A_152 = arith.addi %mul3A_150, %add3A_151 : i32
      %dma_wait3A_153 = arith.constant 0 : i32
      %dma_wait3A_154 = arith.constant 0 : i32
      %dma_wait3A_155 = tpu.memref_slice %arg2[%dma_wait3A_153, %dma_wait3A_154] : memref<10000x128xf32, #tpu.memory_space<hbm>> -> memref<10000x128xf32, #tpu.memory_space<hbm>>
      tpu.wait_indirect_dma semaphore(%arg27 : memref<!tpu.dma_semaphore, #tpu.memory_space<semaphore_mem>>) src(%dma_wait3A_155 : memref<10000x128xf32, #tpu.memory_space<hbm>>) dst(%arg18 : memref<80x128xf32, #tpu.memory_space<vmem>>)
      "tpu.region"() ({
        %run_scoped3A = tpu.sem_alloc : memref<!tpu.dma_semaphore, #tpu.memory_space<semaphore_mem>>
        %dma_start3A_172 = arith.constant 0 : i32
        %dma_start3A_173 = arith.constant 0 : i32
        %dma_start3A_174 = tpu.memref_slice %arg19[%dma_start3A_172, %dma_start3A_173] : memref<10112x128xf32, #tpu.memory_space<vmem_shared>> -> memref<10112x128xf32, #tpu.memory_space<vmem_shared>>
        tpu.enqueue_indirect_dma source(%arg18 : memref<80x128xf32, #tpu.memory_space<vmem>>) target(%dma_start3A_174 : memref<10112x128xf32, #tpu.memory_space<vmem_shared>>) offsets(%arg14 : memref<80xi32, #tpu.memory_space<vmem>>) semaphore(%run_scoped3A : memref<!tpu.dma_semaphore, #tpu.memory_space<semaphore_mem>>) {add = true}
        %dma_wait3A_175 = arith.constant 0 : i32
        %dma_wait3A_176 = arith.constant 0 : i32
        %dma_wait3A_177 = tpu.memref_slice %arg19[%dma_wait3A_175, %dma_wait3A_176] : memref<10112x128xf32, #tpu.memory_space<vmem_shared>> -> memref<10112x128xf32, #tpu.memory_space<vmem_shared>>
        tpu.wait_indirect_dma semaphore(%run_scoped3A : memref<!tpu.dma_semaphore, #tpu.memory_space<semaphore_mem>>) src(%arg18 : memref<80x128xf32, #tpu.memory_space<vmem>>) dst(%dma_wait3A_177 : memref<10112x128xf32, #tpu.memory_space<vmem_shared>>)
        tpu.yield
      }) : () -> ()
      %add3A_156 = arith.constant 4 : i32
      %add3A_157 = arith.addi %add3A_152, %add3A_156 : i32
      %lt3A_158 = arith.constant 125 : i32
      %lt3A_159 = arith.cmpi slt, %add3A_157, %lt3A_158 : i32
      %convert_element_type3A_160 = arith.extui %lt3A_159 : i1 to i32
      %cond3A_161 = arith.constant 0 : i32
      %cond3A_162 = arith.cmpi ne, %convert_element_type3A_160, %cond3A_161 : i32
      scf.if %cond3A_162 {
        %add3A_172 = arith.constant 4 : i32
        %add3A_173 = arith.addi %add3A_152, %add3A_172 : i32
        %mul3A_174 = arith.constant 80 : i32
        %mul3A_175 = arith.muli %add3A_173, %mul3A_174 : i32
        %add3A_176 = arith.addi %mul3A_2, %mul3A_175 : i32
        %dma_start3A_177 = tpu.memref_slice %arg3[%add3A_176] : memref<320000xi32, #tpu.memory_space<hbm>> -> memref<80xi32, #tpu.memory_space<hbm>>
        %dma_start3A_178 = tpu.memref_slice %arg3[%add3A_176] : memref<320000xi32, #tpu.memory_space<hbm>> -> memref<80xi32, #tpu.memory_space<hbm>>
        tpu.enqueue_dma source(%dma_start3A_178 : memref<80xi32, #tpu.memory_space<hbm>>) target(%arg10 : memref<80xi32, #tpu.memory_space<vmem>>) target_semaphore(%arg23 : memref<!tpu.dma_semaphore, #tpu.memory_space<semaphore_mem>>)
        %mul3A_179 = arith.constant 80 : i32
        %mul3A_180 = arith.muli %add3A_173, %mul3A_179 : i32
        %add3A_181 = arith.addi %mul3A_2, %mul3A_180 : i32
        %dma_start3A_182 = tpu.memref_slice %arg4[%add3A_181] : memref<320000xi32, #tpu.memory_space<hbm>> -> memref<80xi32, #tpu.memory_space<hbm>>
        %dma_start3A_183 = tpu.memref_slice %arg4[%add3A_181] : memref<320000xi32, #tpu.memory_space<hbm>> -> memref<80xi32, #tpu.memory_space<hbm>>
        tpu.enqueue_dma source(%dma_start3A_183 : memref<80xi32, #tpu.memory_space<hbm>>) target(%arg14 : memref<80xi32, #tpu.memory_space<vmem>>) target_semaphore(%arg23 : memref<!tpu.dma_semaphore, #tpu.memory_space<semaphore_mem>>)
      } else {
      }
      %add3A_163 = arith.constant 4 : i32
      %add3A_164 = arith.addi %add3A_152, %add3A_163 : i32
      %sub3A_165 = arith.constant 1 : i32
      %sub3A_166 = arith.subi %add3A_164, %sub3A_165 : i32
      %lt3A_167 = arith.constant 125 : i32
      %lt3A_168 = arith.cmpi slt, %sub3A_166, %lt3A_167 : i32
      %convert_element_type3A_169 = arith.extui %lt3A_168 : i1 to i32
      %cond3A_170 = arith.constant 0 : i32
      %cond3A_171 = arith.cmpi ne, %convert_element_type3A_169, %cond3A_170 : i32
      scf.if %cond3A_171 {
        %dma_wait3A_172 = arith.constant 0 : i32
        %dma_wait3A_173 = tpu.memref_slice %arg3[%dma_wait3A_172] : memref<320000xi32, #tpu.memory_space<hbm>> -> memref<80xi32, #tpu.memory_space<hbm>>
        %dma_wait3A_174 = arith.constant 0 : i32
        %dma_wait3A_175 = tpu.memref_slice %arg3[%dma_wait3A_174] : memref<320000xi32, #tpu.memory_space<hbm>> -> memref<80xi32, #tpu.memory_space<hbm>>
        tpu.wait_dma2 semaphore(%arg22 : memref<!tpu.dma_semaphore, #tpu.memory_space<semaphore_mem>>) src(%dma_wait3A_175 : memref<80xi32, #tpu.memory_space<hbm>>) dst(%arg9 : memref<80xi32, #tpu.memory_space<vmem>>)
        %dma_wait3A_176 = arith.constant 0 : i32
        %dma_wait3A_177 = tpu.memref_slice %arg4[%dma_wait3A_176] : memref<320000xi32, #tpu.memory_space<hbm>> -> memref<80xi32, #tpu.memory_space<hbm>>
        %dma_wait3A_178 = arith.constant 0 : i32
        %dma_wait3A_179 = tpu.memref_slice %arg4[%dma_wait3A_178] : memref<320000xi32, #tpu.memory_space<hbm>> -> memref<80xi32, #tpu.memory_space<hbm>>
        tpu.wait_dma2 semaphore(%arg22 : memref<!tpu.dma_semaphore, #tpu.memory_space<semaphore_mem>>) src(%dma_wait3A_179 : memref<80xi32, #tpu.memory_space<hbm>>) dst(%arg13 : memref<80xi32, #tpu.memory_space<vmem>>)
        %dma_start3A_180 = arith.constant 0 : i32
        %dma_start3A_181 = arith.constant 0 : i32
        %dma_start3A_182 = tpu.memref_slice %arg2[%dma_start3A_180, %dma_start3A_181] : memref<10000x128xf32, #tpu.memory_space<hbm>> -> memref<10000x128xf32, #tpu.memory_space<hbm>>
        tpu.enqueue_indirect_dma source(%dma_start3A_182 : memref<10000x128xf32, #tpu.memory_space<hbm>>) target(%arg17 : memref<80x128xf32, #tpu.memory_space<vmem>>) offsets(%arg9 : memref<80xi32, #tpu.memory_space<vmem>>) semaphore(%arg26 : memref<!tpu.dma_semaphore, #tpu.memory_space<semaphore_mem>>)
      } else {
      }
    }
    %scan3A_74 = arith.constant 31 : i32
    %dma_wait3A_75 = arith.constant 0 : i32
    %dma_wait3A_76 = arith.constant 0 : i32
    %dma_wait3A_77 = tpu.memref_slice %arg2[%dma_wait3A_75, %dma_wait3A_76] : memref<10000x128xf32, #tpu.memory_space<hbm>> -> memref<10000x128xf32, #tpu.memory_space<hbm>>
    tpu.wait_indirect_dma semaphore(%arg24 : memref<!tpu.dma_semaphore, #tpu.memory_space<semaphore_mem>>) src(%dma_wait3A_77 : memref<10000x128xf32, #tpu.memory_space<hbm>>) dst(%arg15 : memref<80x128xf32, #tpu.memory_space<vmem>>)
    "tpu.region"() ({
      %run_scoped3A = tpu.sem_alloc : memref<!tpu.dma_semaphore, #tpu.memory_space<semaphore_mem>>
      %dma_start3A_83 = arith.constant 0 : i32
      %dma_start3A_84 = arith.constant 0 : i32
      %dma_start3A_85 = tpu.memref_slice %arg19[%dma_start3A_83, %dma_start3A_84] : memref<10112x128xf32, #tpu.memory_space<vmem_shared>> -> memref<10112x128xf32, #tpu.memory_space<vmem_shared>>
      tpu.enqueue_indirect_dma source(%arg15 : memref<80x128xf32, #tpu.memory_space<vmem>>) target(%dma_start3A_85 : memref<10112x128xf32, #tpu.memory_space<vmem_shared>>) offsets(%arg11 : memref<80xi32, #tpu.memory_space<vmem>>) semaphore(%run_scoped3A : memref<!tpu.dma_semaphore, #tpu.memory_space<semaphore_mem>>) {add = true}
      %dma_wait3A_86 = arith.constant 0 : i32
      %dma_wait3A_87 = arith.constant 0 : i32
      %dma_wait3A_88 = tpu.memref_slice %arg19[%dma_wait3A_86, %dma_wait3A_87] : memref<10112x128xf32, #tpu.memory_space<vmem_shared>> -> memref<10112x128xf32, #tpu.memory_space<vmem_shared>>
      tpu.wait_indirect_dma semaphore(%run_scoped3A : memref<!tpu.dma_semaphore, #tpu.memory_space<semaphore_mem>>) src(%arg15 : memref<80x128xf32, #tpu.memory_space<vmem>>) dst(%dma_wait3A_88 : memref<10112x128xf32, #tpu.memory_space<vmem_shared>>)
      tpu.yield
    }) : () -> ()
    %barrier3A_78 = arith.constant 0 : index
    tpu.barrier barrier_id(%barrier3A_78)
    %mul3A_79 = arith.constant 632 : i32
    %mul3A_80 = arith.muli %arg1, %mul3A_79 : i32
    %mul3A_81 = arith.constant 632 : i32
    %mul3A_82 = arith.muli %arg1, %mul3A_81 : i32
    "tpu.region"() ({
      %run_scoped3A = tpu.sem_alloc : memref<!tpu.dma_semaphore, #tpu.memory_space<semaphore_mem>>
      %dma_start3A_83 = arith.constant 0 : i32
      %dma_start3A_84 = arith.constant 0 : i32
      %dma_start3A_85 = tpu.memref_slice %arg6[%arg0, %dma_start3A_83, %dma_start3A_84] : memref<2x10112x128xf32, #tpu.memory_space<hbm>> -> memref<1x10112x128xf32, #tpu.memory_space<hbm>>
      %dma_start3A_86 = tpu.memref_squeeze %dma_start3A_85 : memref<1x10112x128xf32, #tpu.memory_space<hbm>> -> memref<10112x128xf32, #tpu.memory_space<hbm>>
      %dma_start3A_87 = arith.constant 0 : i32
      %dma_start3A_88 = tpu.memref_slice %dma_start3A_86[%mul3A_82, %dma_start3A_87] : memref<10112x128xf32, #tpu.memory_space<hbm>> -> memref<632x128xf32, #tpu.memory_space<hbm>>
      %dma_start3A_89 = arith.constant 0 : i32
      %dma_start3A_90 = tpu.memref_slice %arg19[%mul3A_80, %dma_start3A_89] : memref<10112x128xf32, #tpu.memory_space<vmem_shared>> -> memref<632x128xf32, #tpu.memory_space<vmem_shared>>
      tpu.enqueue_dma source(%dma_start3A_90 : memref<632x128xf32, #tpu.memory_space<vmem_shared>>) target(%dma_start3A_88 : memref<632x128xf32, #tpu.memory_space<hbm>>) target_semaphore(%run_scoped3A : memref<!tpu.dma_semaphore, #tpu.memory_space<semaphore_mem>>)
      %dma_wait3A_91 = arith.constant 0 : i32
      %dma_wait3A_92 = arith.constant 0 : i32
      %dma_wait3A_93 = tpu.memref_slice %arg6[%arg0, %dma_wait3A_91, %dma_wait3A_92] : memref<2x10112x128xf32, #tpu.memory_space<hbm>> -> memref<1x10112x128xf32, #tpu.memory_space<hbm>>
      %dma_wait3A_94 = tpu.memref_squeeze %dma_wait3A_93 : memref<1x10112x128xf32, #tpu.memory_space<hbm>> -> memref<10112x128xf32, #tpu.memory_space<hbm>>
      %dma_wait3A_95 = arith.constant 0 : i32
      %dma_wait3A_96 = tpu.memref_slice %dma_wait3A_94[%mul3A_82, %dma_wait3A_95] : memref<10112x128xf32, #tpu.memory_space<hbm>> -> memref<632x128xf32, #tpu.memory_space<hbm>>
      %dma_wait3A_97 = arith.constant 0 : i32
      %dma_wait3A_98 = tpu.memref_slice %arg19[%mul3A_80, %dma_wait3A_97] : memref<10112x128xf32, #tpu.memory_space<vmem_shared>> -> memref<632x128xf32, #tpu.memory_space<vmem_shared>>
      tpu.wait_dma2 semaphore(%run_scoped3A : memref<!tpu.dma_semaphore, #tpu.memory_space<semaphore_mem>>) src(%dma_wait3A_98 : memref<632x128xf32, #tpu.memory_space<vmem_shared>>) dst(%dma_wait3A_96 : memref<632x128xf32, #tpu.memory_space<hbm>>)
      tpu.yield
    }) : () -> ()
    return
  }
}

module attributes {stable_mosaic.version = 14 : i64} {
  func.func @_tc1_body(%arg0: i32, %arg1: memref<2x1000x128xf32, #tpu.memory_space<vmem>>, %arg2: memref<2x1000x1xf32, #tpu.memory_space<vmem>>, %arg3: memref<1000x128xf32, #tpu.memory_space<vmem>>, %arg4: memref<128x128xf32, #tpu.memory_space<vmem>>, %arg5: memref<1x128xf32, #tpu.memory_space<vmem>>, %arg6: memref<128x128xf32, #tpu.memory_space<vmem>>, %arg7: memref<1000x128xf32, #tpu.memory_space<vmem>>) attributes {dimension_semantics = [#tpu.dimension_semantics<arbitrary>], iteration_bounds = array<i64: 10>, scalar_prefetch = 0 : i64, scratch_operands = 0 : i64, tpu.core_type = #tpu.core_type<tc>, window_params = [{transform_indices = @transform_0, window_bounds = array<i64: 2, 1000, 128>}, {transform_indices = @transform_1, window_bounds = array<i64: 2, 1000, 1>}, {transform_indices = @transform_2, window_bounds = array<i64: 1000, 128>}, {pipeline_mode = #tpu.pipeline_mode<synchronous>, transform_indices = @transform_3, window_bounds = array<i64: 128, 128>}, {pipeline_mode = #tpu.pipeline_mode<synchronous>, transform_indices = @transform_4, window_bounds = array<i64: 1, 128>}, {pipeline_mode = #tpu.pipeline_mode<synchronous>, transform_indices = @transform_5, window_bounds = array<i64: 128, 128>}, {transform_indices = @transform_6, window_bounds = array<i64: 1000, 128>}]} {
    %get3A = arith.constant 0 : index
    %get3A_0 = arith.constant 0 : index
    %get3A_1 = arith.constant 0 : index
    %get3A_2 = vector.load %arg1[%get3A, %get3A_0, %get3A_1] : memref<2x1000x128xf32, #tpu.memory_space<vmem>>, vector<1x1000x128xf32>
    %get3A_3 = vector.shape_cast %get3A_2 : vector<1x1000x128xf32> to vector<1000x128xf32>
    %get3A_4 = arith.constant 1 : index
    %get3A_5 = arith.constant 0 : index
    %get3A_6 = arith.constant 0 : index
    %get3A_7 = vector.load %arg1[%get3A_4, %get3A_5, %get3A_6] : memref<2x1000x128xf32, #tpu.memory_space<vmem>>, vector<1x1000x128xf32>
    %get3A_8 = vector.shape_cast %get3A_7 : vector<1x1000x128xf32> to vector<1000x128xf32>
    %add3A = arith.addf %get3A_3, %get3A_8 : vector<1000x128xf32>
    %get3A_9 = arith.constant 0 : index
    %get3A_10 = arith.constant 0 : index
    %get3A_11 = arith.constant 0 : index
    %get3A_12 = vector.load %arg2[%get3A_9, %get3A_10, %get3A_11] : memref<2x1000x1xf32, #tpu.memory_space<vmem>>, vector<1x1000x1xf32>
    %get3A_13 = vector.shape_cast %get3A_12 : vector<1x1000x1xf32> to vector<1000x1xf32>
    %get3A_14 = arith.constant 1 : index
    %get3A_15 = arith.constant 0 : index
    %get3A_16 = arith.constant 0 : index
    %get3A_17 = vector.load %arg2[%get3A_14, %get3A_15, %get3A_16] : memref<2x1000x1xf32, #tpu.memory_space<vmem>>, vector<1x1000x1xf32>
    %get3A_18 = vector.shape_cast %get3A_17 : vector<1x1000x1xf32> to vector<1000x1xf32>
    %add3A_19 = arith.addf %get3A_13, %get3A_18 : vector<1000x1xf32>
    %max3A = arith.constant 1.000000e+00 : f32
    %max3A_20 = vector.broadcast %max3A : f32 to vector<1000x1xf32>
    %max3A_21 = arith.maximumf %add3A_19, %max3A_20 : vector<1000x1xf32>
    %div3A = vector.broadcast %max3A_21 : vector<1000x1xf32> to vector<1000x128xf32>
    %div3A_22 = arith.divf %add3A, %div3A : vector<1000x128xf32>
    %get3A_23 = arith.constant 0 : index
    %get3A_24 = arith.constant 0 : index
    %get3A_25 = vector.load %arg4[%get3A_23, %get3A_24] : memref<128x128xf32, #tpu.memory_space<vmem>>, vector<128x128xf32>
    %dot_general3A = arith.constant dense<0.000000e+00> : vector<1000x128xf32>
    %dot_general3A_26 = tpu.matmul %div3A_22, %get3A_25, %dot_general3A {dimension_numbers = #tpu.dot_dimension_numbers<[1], [1], [0], [0], [0, 0, 1, 0], [], []>, precision = #tpu.contract_precision<fp32>, transpose_lhs_hint = false} : vector<1000x128xf32>, vector<128x128xf32>, vector<1000x128xf32> -> vector<1000x128xf32>
    %get3A_27 = arith.constant 0 : index
    %get3A_28 = arith.constant 0 : index
    %get3A_29 = vector.load %arg3[%get3A_27, %get3A_28] : memref<1000x128xf32, #tpu.memory_space<vmem>>, vector<1000x128xf32>
    %get3A_30 = arith.constant 0 : index
    %get3A_31 = arith.constant 0 : index
    %get3A_32 = vector.load %arg6[%get3A_30, %get3A_31] : memref<128x128xf32, #tpu.memory_space<vmem>>, vector<128x128xf32>
    %dot_general3A_33 = arith.constant dense<0.000000e+00> : vector<1000x128xf32>
    %dot_general3A_34 = tpu.matmul %get3A_29, %get3A_32, %dot_general3A_33 {dimension_numbers = #tpu.dot_dimension_numbers<[1], [1], [0], [0], [0, 0, 1, 0], [], []>, precision = #tpu.contract_precision<fp32>, transpose_lhs_hint = false} : vector<1000x128xf32>, vector<128x128xf32>, vector<1000x128xf32> -> vector<1000x128xf32>
    %add3A_35 = arith.addf %dot_general3A_26, %dot_general3A_34 : vector<1000x128xf32>
    %get3A_36 = arith.constant 0 : index
    %get3A_37 = arith.constant 0 : index
    %get3A_38 = vector.load %arg5[%get3A_36, %get3A_37] : memref<1x128xf32, #tpu.memory_space<vmem>>, vector<1x128xf32>
    %add3A_39 = vector.broadcast %get3A_38 : vector<1x128xf32> to vector<1000x128xf32>
    %add3A_40 = arith.addf %add3A_35, %add3A_39 : vector<1000x128xf32>
    %max3A_41 = arith.constant 0.000000e+00 : f32
    %max3A_42 = vector.broadcast %max3A_41 : f32 to vector<1000x128xf32>
    %max3A_43 = arith.maximumf %add3A_40, %max3A_42 : vector<1000x128xf32>
    %swap3A = arith.constant 0 : index
    %swap3A_44 = arith.constant 0 : index
    %swap3A_45 = vector.load %arg7[%swap3A, %swap3A_44] : memref<1000x128xf32, #tpu.memory_space<vmem>>, vector<1000x128xf32>
    tpu.vector_store %arg7[%swap3A, %swap3A_44], %max3A_43 {strides = array<i32>} : memref<1000x128xf32, #tpu.memory_space<vmem>>, vector<1000x128xf32>,
    return
  }
  func.func @transform_0(%arg0: i32) -> (i32, i32, i32) {
    %c0_i32 = arith.constant 0 : i32
    %c0_i32_0 = arith.constant 0 : i32
    %c0_i32_1 = arith.constant 0 : i32
    return %c0_i32, %arg0, %c0_i32_0 : i32, i32, i32
  }
  func.func @transform_1(%arg0: i32) -> (i32, i32, i32) {
    %c0_i32 = arith.constant 0 : i32
    %c0_i32_0 = arith.constant 0 : i32
    %c0_i32_1 = arith.constant 0 : i32
    return %c0_i32, %arg0, %c0_i32_0 : i32, i32, i32
  }
  func.func @transform_2(%arg0: i32) -> (i32, i32) {
    %c0_i32 = arith.constant 0 : i32
    %c0_i32_0 = arith.constant 0 : i32
    return %arg0, %c0_i32 : i32, i32
  }
  func.func @transform_3(%arg0: i32) -> (i32, i32) {
    %c0_i32 = arith.constant 0 : i32
    %c0_i32_0 = arith.constant 0 : i32
    %c0_i32_1 = arith.constant 0 : i32
    return %c0_i32, %c0_i32_0 : i32, i32
  }
  func.func @transform_4(%arg0: i32) -> (i32, i32) {
    %c0_i32 = arith.constant 0 : i32
    %c0_i32_0 = arith.constant 0 : i32
    %c0_i32_1 = arith.constant 0 : i32
    return %c0_i32, %c0_i32_0 : i32, i32
  }
  func.func @transform_5(%arg0: i32) -> (i32, i32) {
    %c0_i32 = arith.constant 0 : i32
    %c0_i32_0 = arith.constant 0 : i32
    %c0_i32_1 = arith.constant 0 : i32
    return %c0_i32, %c0_i32_0 : i32, i32
  }
  func.func @transform_6(%arg0: i32) -> (i32, i32) {
    %c0_i32 = arith.constant 0 : i32
    %c0_i32_0 = arith.constant 0 : i32
    return %arg0, %c0_i32 : i32, i32
  }
}

module attributes {stable_mosaic.version = 14 : i64} {
  func.func @_tc2_body(%arg0: i32, %arg1: memref<2x1000x128xf32, #tpu.memory_space<vmem>>, %arg2: memref<2x1000x1xf32, #tpu.memory_space<vmem>>, %arg3: memref<1000x128xf32, #tpu.memory_space<vmem>>, %arg4: memref<128x128xf32, #tpu.memory_space<vmem>>, %arg5: memref<1x128xf32, #tpu.memory_space<vmem>>, %arg6: memref<128x128xf32, #tpu.memory_space<vmem>>, %arg7: memref<64x128xf32, #tpu.memory_space<vmem>>, %arg8: memref<1x64xf32, #tpu.memory_space<vmem>>, %arg9: memref<1000x64xf32, #tpu.memory_space<vmem>>) attributes {dimension_semantics = [#tpu.dimension_semantics<arbitrary>], iteration_bounds = array<i64: 10>, scalar_prefetch = 0 : i64, scratch_operands = 0 : i64, tpu.core_type = #tpu.core_type<tc>, window_params = [{transform_indices = @transform_0, window_bounds = array<i64: 2, 1000, 128>}, {transform_indices = @transform_1, window_bounds = array<i64: 2, 1000, 1>}, {transform_indices = @transform_2, window_bounds = array<i64: 1000, 128>}, {pipeline_mode = #tpu.pipeline_mode<synchronous>, transform_indices = @transform_3, window_bounds = array<i64: 128, 128>}, {pipeline_mode = #tpu.pipeline_mode<synchronous>, transform_indices = @transform_4, window_bounds = array<i64: 1, 128>}, {pipeline_mode = #tpu.pipeline_mode<synchronous>, transform_indices = @transform_5, window_bounds = array<i64: 128, 128>}, {pipeline_mode = #tpu.pipeline_mode<synchronous>, transform_indices = @transform_6, window_bounds = array<i64: 64, 128>}, {pipeline_mode = #tpu.pipeline_mode<synchronous>, transform_indices = @transform_7, window_bounds = array<i64: 1, 64>}, {transform_indices = @transform_8, window_bounds = array<i64: 1000, 64>}]} {
    %get3A = arith.constant 0 : index
    %get3A_0 = arith.constant 0 : index
    %get3A_1 = arith.constant 0 : index
    %get3A_2 = vector.load %arg1[%get3A, %get3A_0, %get3A_1] : memref<2x1000x128xf32, #tpu.memory_space<vmem>>, vector<1x1000x128xf32>
    %get3A_3 = vector.shape_cast %get3A_2 : vector<1x1000x128xf32> to vector<1000x128xf32>
    %get3A_4 = arith.constant 1 : index
    %get3A_5 = arith.constant 0 : index
    %get3A_6 = arith.constant 0 : index
    %get3A_7 = vector.load %arg1[%get3A_4, %get3A_5, %get3A_6] : memref<2x1000x128xf32, #tpu.memory_space<vmem>>, vector<1x1000x128xf32>
    %get3A_8 = vector.shape_cast %get3A_7 : vector<1x1000x128xf32> to vector<1000x128xf32>
    %add3A = arith.addf %get3A_3, %get3A_8 : vector<1000x128xf32>
    %get3A_9 = arith.constant 0 : index
    %get3A_10 = arith.constant 0 : index
    %get3A_11 = arith.constant 0 : index
    %get3A_12 = vector.load %arg2[%get3A_9, %get3A_10, %get3A_11] : memref<2x1000x1xf32, #tpu.memory_space<vmem>>, vector<1x1000x1xf32>
    %get3A_13 = vector.shape_cast %get3A_12 : vector<1x1000x1xf32> to vector<1000x1xf32>
    %get3A_14 = arith.constant 1 : index
    %get3A_15 = arith.constant 0 : index
    %get3A_16 = arith.constant 0 : index
    %get3A_17 = vector.load %arg2[%get3A_14, %get3A_15, %get3A_16] : memref<2x1000x1xf32, #tpu.memory_space<vmem>>, vector<1x1000x1xf32>
    %get3A_18 = vector.shape_cast %get3A_17 : vector<1x1000x1xf32> to vector<1000x1xf32>
    %add3A_19 = arith.addf %get3A_13, %get3A_18 : vector<1000x1xf32>
    %max3A = arith.constant 1.000000e+00 : f32
    %max3A_20 = vector.broadcast %max3A : f32 to vector<1000x1xf32>
    %max3A_21 = arith.maximumf %add3A_19, %max3A_20 : vector<1000x1xf32>
    %div3A = vector.broadcast %max3A_21 : vector<1000x1xf32> to vector<1000x128xf32>
    %div3A_22 = arith.divf %add3A, %div3A : vector<1000x128xf32>
    %get3A_23 = arith.constant 0 : index
    %get3A_24 = arith.constant 0 : index
    %get3A_25 = vector.load %arg4[%get3A_23, %get3A_24] : memref<128x128xf32, #tpu.memory_space<vmem>>, vector<128x128xf32>
    %dot_general3A = arith.constant dense<0.000000e+00> : vector<1000x128xf32>
    %dot_general3A_26 = tpu.matmul %div3A_22, %get3A_25, %dot_general3A {dimension_numbers = #tpu.dot_dimension_numbers<[1], [1], [0], [0], [0, 0, 1, 0], [], []>, precision = #tpu.contract_precision<fp32>, transpose_lhs_hint = false} : vector<1000x128xf32>, vector<128x128xf32>, vector<1000x128xf32> -> vector<1000x128xf32>
    %get3A_27 = arith.constant 0 : index
    %get3A_28 = arith.constant 0 : index
    %get3A_29 = vector.load %arg3[%get3A_27, %get3A_28] : memref<1000x128xf32, #tpu.memory_space<vmem>>, vector<1000x128xf32>
    %get3A_30 = arith.constant 0 : index
    %get3A_31 = arith.constant 0 : index
    %get3A_32 = vector.load %arg6[%get3A_30, %get3A_31] : memref<128x128xf32, #tpu.memory_space<vmem>>, vector<128x128xf32>
    %dot_general3A_33 = arith.constant dense<0.000000e+00> : vector<1000x128xf32>
    %dot_general3A_34 = tpu.matmul %get3A_29, %get3A_32, %dot_general3A_33 {dimension_numbers = #tpu.dot_dimension_numbers<[1], [1], [0], [0], [0, 0, 1, 0], [], []>, precision = #tpu.contract_precision<fp32>, transpose_lhs_hint = false} : vector<1000x128xf32>, vector<128x128xf32>, vector<1000x128xf32> -> vector<1000x128xf32>
    %add3A_35 = arith.addf %dot_general3A_26, %dot_general3A_34 : vector<1000x128xf32>
    %get3A_36 = arith.constant 0 : index
    %get3A_37 = arith.constant 0 : index
    %get3A_38 = vector.load %arg5[%get3A_36, %get3A_37] : memref<1x128xf32, #tpu.memory_space<vmem>>, vector<1x128xf32>
    %add3A_39 = vector.broadcast %get3A_38 : vector<1x128xf32> to vector<1000x128xf32>
    %add3A_40 = arith.addf %add3A_35, %add3A_39 : vector<1000x128xf32>
    %max3A_41 = arith.constant 0.000000e+00 : f32
    %max3A_42 = vector.broadcast %max3A_41 : f32 to vector<1000x128xf32>
    %max3A_43 = arith.maximumf %add3A_40, %max3A_42 : vector<1000x128xf32>
    %get3A_44 = arith.constant 0 : index
    %get3A_45 = arith.constant 0 : index
    %get3A_46 = vector.load %arg7[%get3A_44, %get3A_45] : memref<64x128xf32, #tpu.memory_space<vmem>>, vector<64x128xf32>
    %dot_general3A_47 = arith.constant dense<0.000000e+00> : vector<1000x64xf32>
    %dot_general3A_48 = tpu.matmul %max3A_43, %get3A_46, %dot_general3A_47 {dimension_numbers = #tpu.dot_dimension_numbers<[1], [1], [0], [0], [0, 0, 1, 0], [], []>, precision = #tpu.contract_precision<fp32>, transpose_lhs_hint = false} : vector<1000x128xf32>, vector<64x128xf32>, vector<1000x64xf32> -> vector<1000x64xf32>
    %get3A_49 = arith.constant 0 : index
    %get3A_50 = arith.constant 0 : index
    %get3A_51 = vector.load %arg8[%get3A_49, %get3A_50] : memref<1x64xf32, #tpu.memory_space<vmem>>, vector<1x64xf32>
    %add3A_52 = vector.broadcast %get3A_51 : vector<1x64xf32> to vector<1000x64xf32>
    %add3A_53 = arith.addf %dot_general3A_48, %add3A_52 : vector<1000x64xf32>
    %swap3A = arith.constant 0 : index
    %swap3A_54 = arith.constant 0 : index
    %swap3A_55 = vector.load %arg9[%swap3A, %swap3A_54] : memref<1000x64xf32, #tpu.memory_space<vmem>>, vector<1000x64xf32>
    tpu.vector_store %arg9[%swap3A, %swap3A_54], %add3A_53 {strides = array<i32>} : memref<1000x64xf32, #tpu.memory_space<vmem>>, vector<1000x64xf32>,
    return
  }
  func.func @transform_0(%arg0: i32) -> (i32, i32, i32) {
    %c0_i32 = arith.constant 0 : i32
    %c0_i32_0 = arith.constant 0 : i32
    %c0_i32_1 = arith.constant 0 : i32
    return %c0_i32, %arg0, %c0_i32_0 : i32, i32, i32
  }
  func.func @transform_1(%arg0: i32) -> (i32, i32, i32) {
    %c0_i32 = arith.constant 0 : i32
    %c0_i32_0 = arith.constant 0 : i32
    %c0_i32_1 = arith.constant 0 : i32
    return %c0_i32, %arg0, %c0_i32_0 : i32, i32, i32
  }
  func.func @transform_2(%arg0: i32) -> (i32, i32) {
    %c0_i32 = arith.constant 0 : i32
    %c0_i32_0 = arith.constant 0 : i32
    return %arg0, %c0_i32 : i32, i32
  }
  func.func @transform_3(%arg0: i32) -> (i32, i32) {
    %c0_i32 = arith.constant 0 : i32
    %c0_i32_0 = arith.constant 0 : i32
    %c0_i32_1 = arith.constant 0 : i32
    return %c0_i32, %c0_i32_0 : i32, i32
  }
  func.func @transform_4(%arg0: i32) -> (i32, i32) {
    %c0_i32 = arith.constant 0 : i32
    %c0_i32_0 = arith.constant 0 : i32
    %c0_i32_1 = arith.constant 0 : i32
    return %c0_i32, %c0_i32_0 : i32, i32
  }
  func.func @transform_5(%arg0: i32) -> (i32, i32) {
    %c0_i32 = arith.constant 0 : i32
    %c0_i32_0 = arith.constant 0 : i32
    %c0_i32_1 = arith.constant 0 : i32
    return %c0_i32, %c0_i32_0 : i32, i32
  }
  func.func @transform_6(%arg0: i32) -> (i32, i32) {
    %c0_i32 = arith.constant 0 : i32
    %c0_i32_0 = arith.constant 0 : i32
    %c0_i32_1 = arith.constant 0 : i32
    return %c0_i32, %c0_i32_0 : i32, i32
  }
  func.func @transform_7(%arg0: i32) -> (i32, i32) {
    %c0_i32 = arith.constant 0 : i32
    %c0_i32_0 = arith.constant 0 : i32
    %c0_i32_1 = arith.constant 0 : i32
    return %c0_i32, %c0_i32_0 : i32, i32
  }
  func.func @transform_8(%arg0: i32) -> (i32, i32) {
    %c0_i32 = arith.constant 0 : i32
    %c0_i32_0 = arith.constant 0 : i32
    return %arg0, %c0_i32 : i32, i32
  }
}

</mosaic_0001>

<sc_bundles>
// kernel: kernel.10.cloned.1.call-start
scs
__scs_entry_jumppad:
0x0: {  	(pc) =	sbr.rel $0x88, $3  }
0x1: {  	(tag) =	ssettag $0x0;
	lr =	simm.s32 $0x1  }
0x2: {  	[smem:$0x3F97] =	sst lr;
	_ =	strace $0xD0000000  }
0x3: {  	_ = 	snop  }
0x4: {  	_ = 	snop  }
0x5: {  	_ = 	snop  }
0x6: {  	_ = 	snop  }
0x7: {  	_ = 	snop  }
__scs_overlays_trampoline_lowered:
0x8: {  	[smem:$0x3FA6] =	sst s0  }
0x9: {  	[smem:$0x3FA7] =	sst s1  }
0xa: {  	[smem:$0x3FA8] =	sst s2  }
0xb: {  	[smem:$0x3FA9] =	sst s3  }
0xc: {  	[smem:$0x3FAA] =	sst s4  }
0xd: {  	[smem:$0x3FAB] =	sst s5  }
0xe: {  	[smem:$0x3FAC] =	sst s6  }
0xf: {  	[smem:$0x3FAD] =	sst s7  }
0x10: {  	[smem:$0x3FAE] =	sst s8  }
0x11: {  	[smem:$0x3FAF] =	sst s9;
	s0 =	simm.s32 @!p0 $0x0  }
0x12: {  	s1 =	sld [smem:$0x3F95];
	s0 =	simm.s32 @p0 $0x1  }
0x13: {  	[smem:$0x3FB0] =	sst s0;
	s0 =	simm.s32 @!p1 $0x0  }
0x14: {  	s2 =	sld [smem:$0x3F94];
	s0 =	simm.s32 @p1 $0x1  }
0x15: {  	[smem:$0x3FB1] =	sst s0;
	s0 =	simm.s32 @!p2 $0x0  }
0x16: {  	s3 =	sld [smem:$0x3FDB];
	s0 =	simm.s32 @p2 $0x1  }
0x17: {  	s4 =	simm.s32 $0x1BF5;
	[smem:$0x3FB3] =	sst s0  }
0x18: {  	s0 =	sld [smem:$0x3F96];
	_ =	swait.ge [sflag:s4], $0x0  }
0x19: {  	s7 =	sld [smem:$0x3F97]  }
0x1a: {  	s8 =	sadd.s32 $0xFFFFE003, lr  }
0x1b: {  	s9 =	sadd.s32 $0xFFFFFEF7, lr;
	s5 =	simm.s32 $0xFFFFFFFF;
	p2 =	slt.u32 s8, $0xFFFFF086  }
0x1c: {  	p1 =	slt.u32 s9, $0xF7A;
	s5 =	simm.s32 @!p2 $0x0  }
0x1d: {  	s5 =	simm.s32 @p1 $0x1;
	p0 =	seq.s32 s7, s2  }
0x1e: {  	s7 =	smul.u32 @!p0 $0xF7A, s2;
	p2 =	seq.s32 @!p0 s5, $0x0  }
0x1f: {  	s9 =	smul.u32 $0xF7A, s1;
	s8 =	simm.s32 @!p0 $0x1BF5;
	p2 =	por !p2, p0  }
0x20: {  	[sflag:s8] =	ssyncset.s32 @!p0 $0xFFFFF086;
	s6 =	sadd.s32 @!p0 s3, s7;
	s7 =	simm.s32 @!p0 $0x108  }
0x21: {  	s3 =	sadd.s32 s3, s9;
	s6 =	sadd.s32 @!p0 $0x88, s6;
	s7 =	simm.s32 @p2 $0x1082  }
0x22: {  	[simem:s7], [sflag:s8] =	dma.local @!p0 [hbm:s6], $0xF7A  }
0x23: {  	s9 =	sor.u32 $0xD0000000, s2;
	s6 =	simm.s32 $0x108;
	_ =	swait.ge @!p0 [sflag:s8], $0x0  }
0x24: {  	s3 =	sadd.s32 $0x88, s3;
	s6 =	simm.s32 @!p1 $0x1082;
	[sflag:s4] =	ssyncset.s32 $0xFFFFF086  }
0x25: {  	[simem:s6], [sflag:s4] =	dma.local [hbm:s3], $0xF7A  }
0x26: {  	[smem:$0x3F97] =	sst s1;
	(tag) =	ssettag s2;
	_ =	strace s9  }
0x27: {  	s1 =	sld [smem:$0x3FA7]  }
0x28: {  	s2 =	sld [smem:$0x3FA8]  }
0x29: {  	s4 =	sld [smem:$0x3FAA]  }
0x2a: {  	p0 =	seq.s32 s5, $0x0;
	s5 =	sld [smem:$0x3FAB]  }
0x2b: {  	s6 =	sld [smem:$0x3FAC]  }
0x2c: {  	s7 =	sld [smem:$0x3FAD]  }
0x2d: {  	s3 =	simm.s32 $0x108;
	s8 =	sld [smem:$0x3FAE]  }
0x2e: {  	s3 =	simm.s32 @!p0 $0x1082;
	s9 =	sld [smem:$0x3FAF]  }
0x2f: {  	lr =	sadd.s32 s0, s3;
	s0 =	sld [smem:$0x3FA6]  }
0x30: {  	s3 =	sld [smem:$0x3FA9]  }
0x31: {  	[smem:$0x3FB2] =	sst s10  }
0x32: {  	s10 =	sld [smem:$0x3FB0];
	_ =	sdelay $0x3  }
0x33: {  	p0 =	seq.s32 s10, $0x1;
	s10 =	sld [smem:$0x3FB2];
	_ =	sdelay $0x3  }
0x34: {  	[smem:$0x3FB2] =	sst s10  }
0x35: {  	s10 =	sld [smem:$0x3FB1];
	_ =	sdelay $0x3  }
0x36: {  	p1 =	seq.s32 s10, $0x1;
	s10 =	sld [smem:$0x3FB2];
	_ =	sdelay $0x3  }
0x37: {  	[smem:$0x3FB2] =	sst s10  }
0x38: {  	s10 =	sld [smem:$0x3FB3]  }
0x39: {  	_ = 	snop;
	(pc) =	sbr.ind lr, $3  }
0x3a: {  	_ = 	snop  }
0x3b: {  	_ = 	snop  }
0x3c: {  	p2 =	seq.s32 s10, $0x1;
	s10 =	sld [smem:$0x3FB2]  }
0x3d: {  	_ =	shalt  }
0x3e: {  	_ =	shalt  }
0x3f: {  	_ =	shalt  }
0x40: {  	_ =	shalt  }
0x41: {  	_ =	shalt  }
0x42: {  	_ =	shalt  }
0x43: {  	_ =	shalt  }
0x44: {  	_ =	shalt  }
0x45: {  	_ =	shalt  }
0x46: {  	_ =	shalt  }
0x47: {  	_ =	shalt  }
0x48: {  	_ =	shalt  }
0x49: {  	_ =	shalt  }
0x4a: {  	_ =	shalt  }
0x4b: {  	_ =	shalt  }
0x4c: {  	_ =	shalt  }
0x4d: {  	_ =	shalt  }
0x4e: {  	_ =	shalt  }
0x4f: {  	_ =	shalt  }
0x50: {  	_ =	shalt  }
0x51: {  	_ =	shalt  }
0x52: {  	_ =	shalt  }
0x53: {  	_ =	shalt  }
0x54: {  	_ =	shalt  }
0x55: {  	_ =	shalt  }
0x56: {  	_ =	shalt  }
0x57: {  	_ =	shalt  }
0x58: {  	_ =	shalt  }
0x59: {  	_ =	shalt  }
0x5a: {  	_ =	shalt  }
0x5b: {  	_ =	shalt  }
0x5c: {  	_ =	shalt  }
0x5d: {  	_ =	shalt  }
0x5e: {  	_ =	shalt  }
0x5f: {  	_ =	shalt  }
0x60: {  	_ =	shalt  }
0x61: {  	_ =	shalt  }
0x62: {  	_ =	shalt  }
0x63: {  	_ =	shalt  }
0x64: {  	_ =	shalt  }
0x65: {  	_ =	shalt  }
0x66: {  	_ =	shalt  }
0x67: {  	_ =	shalt  }
0x68: {  	_ =	shalt  }
0x69: {  	_ =	shalt  }
0x6a: {  	_ =	shalt  }
0x6b: {  	_ =	shalt  }
0x6c: {  	_ =	shalt  }
0x6d: {  	_ =	shalt  }
0x6e: {  	_ =	shalt  }
0x6f: {  	_ =	shalt  }
0x70: {  	_ =	shalt  }
0x71: {  	_ =	shalt  }
0x72: {  	_ =	shalt  }
0x73: {  	_ =	shalt  }
0x74: {  	_ =	shalt  }
0x75: {  	_ =	shalt  }
0x76: {  	_ =	shalt  }
0x77: {  	_ =	shalt  }
0x78: {  	_ =	shalt  }
0x79: {  	_ =	shalt  }
0x7a: {  	_ =	shalt  }
0x7b: {  	_ =	shalt  }
0x7c: {  	_ =	shalt  }
0x7d: {  	_ =	shalt  }
0x7e: {  	_ =	shalt  }
0x7f: {  	_ =	shalt  }
0x80: {  	_ =	shalt  }
0x81: {  	_ =	shalt  }
0x82: {  	_ =	shalt  }
0x83: {  	_ =	shalt  }
0x84: {  	_ =	shalt  }
0x85: {  	_ =	shalt  }
0x86: {  	_ =	shalt  }
0x87: {  	_ =	shalt  }
.Lfunc_end0:
.L_simem_size_0:
called_computation.1_lowered:
.L_overlay_start_0:
0x88: {  	s2 =	sld [smem:$0x3FD9]  }
0x89: {  	s3 =	sld [smem:$0x3FFE];
	_ =	sdelay $0x1  }
0x8a: {  	s1 =	srdreg.scid  }
0x8b: {  	s0 =	sand.u32 $0x1, s1  }
0x8c: {  	s17 =	sshll.u32 s0, $0xA;
	s2 =	sadd.s32 s3, s2  }
0x8d: {  	s2 =	sadd.s32 s2, s17  }
0x8e: {  	[smem:$0x3FBE] =	sst s2  }
0x8f: {  	_ = 	snop  }
0x90: {  	s4 =	sld [smem:$0x3FC9]  }
0x91: {  	s18 =	sld [smem:$0x3FD0];
	(tm) =	ssettm $0x1  }
0x92: {  	s19 =	sld [smem:$0x3FFB];
	_ =	sdelay $0x3  }
0x93: {  	_ =	strace s19  }
0x94: {  	s2 =	sld [smem:$0x3FFC];
	_ =	sdelay $0x3  }
0x95: {  	_ =	strace s2  }
0x96: {  	s2 =	sld [smem:$0x3FFD];
	_ =	sdelay $0x3  }
0x97: {  	_ =	strace s2  }
0x98: {  	_ =	strace $0x8FFFFFFF  }
0x99: {  	s20 =	sld [smem:$0x3FDB];
	_ =	sdelay $0x1  }
0x9a: {  	s5 =	simm.s32 $_scs_section_size  }
0x9b: {  	s6 =	simm.s32 $_size__tile_overlayer_lowered;
	s7 =	simm.s32 $_tile_overlayer_lowered  }
0x9c: {  	s8 =	simm.s32 $0x1BFF;
	s21 =	sshll.u32 s7, $0x1;
	s5 =	sadd.s32 s5, s20  }
0x9d: {  	s22 =	simm.s32 $0x0;
	s6 =	sshll.u32 s6, $0x1;
	s7 =	sadd.s32 s21, s5  }
0x9e: {  	[timem:s22], [sflag:s8] =	dma.local [hbm:s7], s6  }
0x9f: {  	_ =	swait.ge [sflag:s8], s6  }
0xa0: {  	s6 =	ssub.s32 $0x0, s6;
	[sflag:s8] =	ssyncset.done $0x0  }
0xa1: {  	[sflag:s8] =	ssyncadd.s32 s6;
	_ =	sdelay $0x1  }
0xa2: {  	s23 =	simm.s32 $0x1B8B  }
0xa3: {  	_ =	swait.ge [sflag:s23], $0x1  }
0xa4: {  	[sflag:s23] =	ssyncset.done $0x0  }
0xa5: {  	[sflag:s23] =	ssyncadd.s32 $0xFFFFFFFF  }
0xa6: {  	s6 =	sld [smem:$0x0]  }
0xa7: {  	s7 =	sand.u32 $0xFFFFFFFE, s1  }
0xa8: {  	p0 =	sne.s32 s1, s7  }
0xa9: {  	s7 =	sshll.u32 @p0 s7, $0xE  }
0xaa: {  	s7 =	sadd.s32 @p0 $0x11B8D, s7;
	s8 =	sshll.u32 @p0 s6, $0x11  }
0xab: {  	s7 =	sor.u32 @p0 s8, s7  }
0xac: {  	[sflag:s7] =	ssyncadd.remote.s32 @p0 $0x1;
	_ =	sdelay $0x1  }
0xad: {  	s7 =	simm.s32 @p0 $0x1B8D  }
0xae: {  	_ =	swait.eq @p0 [sflag:s7], $0x1  }
0xaf: {  	[sflag:s7] =	ssyncadd.s32 @p0 $0xFFFFFFFF  }
0xb0: {  	s8 =	sshll.u32 @!p0 s1, $0xE  }
0xb1: {  	s8 =	sor.u32 @!p0 $0x4000, s8;
	s7 =	simm.s32 @!p0 $0x1B8D  }
0xb2: {  	s6 =	sshll.u32 @!p0 s6, $0x11;
	s8 =	sadd.s32 @!p0 $0x11B8D, s8;
	_ =	swait.eq @!p0 [sflag:s7], $0x1  }
0xb3: {  	s6 =	sor.u32 @!p0 s6, s8;
	[sflag:s7] =	ssyncadd.s32 @!p0 $0xFFFFFFFF  }
0xb4: {  	s25 =	simm.s32 $0x1B8E;
	s24 =	sld [smem:$0x3FFE];
	[sflag:s6] =	ssyncadd.remote.s32 @!p0 $0x1  }
0xb5: {  	s26 =	simm.s32 $execute0_lowered;
	[smem:$0x3FD2] =	sst s25  }
0xb6: {  	s7 =	sshll.u32 s26, $0x1;
	_ =	strace $0x80000049;
	[dreg:$0x1] =	wrdreg $0xFFFFFFFF  }
0xb7: {  	s28 =	simm.s32 $_size_execute0_lowered;
	s5 =	sadd.s32 s5, s7;
	[dreg:$0x0] =	wrdreg $0x0  }
0xb8: {  	s7 =	sshll.u32 s28, $0x1;
	[dreg:$0x2] =	wrdreg s5  }
0xb9: {  	[dreg:$0x3] =	wrdreg s7  }
0xba: {  	[dreg:$0x4] =	wrdreg $0xC0  }
0xbb: {  	_ =	task [dreg:s22], $0x5FFFF  }
0xbc: {  	[dreg:$0x1] =	wrdreg $0xFFFFFFFF  }
0xbd: {  	[dreg:$0x0] =	wrdreg $0x60  }
0xbe: {  	[dreg:$0x2] =	wrdreg s4  }
0xbf: {  	[dreg:$0x3] =	wrdreg s24  }
0xc0: {  	[dreg:$0x4] =	wrdreg s18  }
0xc1: {  	[dreg:$0x5] =	wrdreg $0xA4000  }
0xc2: {  	[dreg:$0x6] =	wrdreg $0xA  }
0xc3: {  	_ =	task.clear_ibuf [dreg:s22], $0x7FFFF;
	_ =	strace $0x90000049  }
0xc4: {  	s29 =	simm.s32 $0xA;
	_ =	strace $0x8000004B  }
0xc5: {  	_ =	swait.ge [sflag:s29], $0x1  }
0xc6: {  	[sflag:s29] =	ssyncadd.s32 $0xFFFFFFFF  }
0xc7: {  	_ =	strace $0x9000004B  }
0xc8: {  	_ =	sfence  }
0xc9: {  	s30 =	sld [smem:$0x0];
	_ =	sdelay $0x2  }
0xca: {  	s31 =	sshll.u32 s1, $0xD;
	s1 =	sshrl.u32 s1, $0x2  }
0xcb: {  	s4 =	sand.u32 $0x4000, s31;
	s1 =	sadd.s32 s1, s30  }
0xcc: {  	s0 =	sor.u32 s4, s0;
	s1 =	sshll.u32 s1, $0x11  }
0xcd: {  	s0 =	sor.u32 s1, s0  }
0xce: {  	s0 =	sadd.s32 $0x8F2B, s0  }
0xcf: {  	[sflag:s0] =	ssyncadd.remote.s32 $0x1  }
0xd0: {  	_ =	sfence.sel $0xFFFF  }
0xd1: {  	[dreg:$0x0] =	wrdreg $0xFFFFFFFF;
	(pc) =	sbr.abs _section_cstart, $3  }
0xd2: {  	[dreg:$0x1] =	wrdreg $0xFFFFFFFF  }
0xd3: {  	_ =	task.clear_ibuf [dreg:s22], $0x2FFFF;
	_ =	strace $0x9FFFFFFF  }
0xd4: {  	(tm) =	ssettm $0x7FFFFFFF  }
0xd5: {  	_ =	shalt  }
tec
execute0_lowered:
.L_overlay_start_1:
0x0: {  	(tag) =	ssettag $0x1  }
0x1: {  	s1 =	rddreg [dreg:$0x0]  }
0x2: {  	s0 =	rddreg [dreg:$0x1]  }
0x3: {  	s6 =	rddreg [dreg:$0x2]  }
0x4: {  	s3 =	rddreg [dreg:$0x3]  }
0x5: {  	s2 =	srdreg.scid;
	s5 =	simm.s32 $0x0;
	s13 =	stileid.u32  }
0x6: {  	s28 =	simm.s32 $0x200;
	s31 =	simm.s32 $0x100;
	s7 =	smul.u32 $0x2780, s13  }
0x7: {  	s2 =	sand.u32 $0x1, s2;
	[smem:$0x7FF] =	sst s5;
	s16 =	smul.u32 $0x4F000, s13  }
0x8: {  	s14 =	sadd.s32 $0x2000, s0;
	s18 =	smul.u32 $0x2710, s13;
	s21 =	sshll.u32 s13, $0x6  }
0x9: {  	s4 =	sshll.u32 s2, $0x4;
	_ =	strace $0x8000004A;
	s8 =	smul.u32 $0x27800, s2  }
0xa: {  	s9 =	ssub.s32 $0x2, s2;
	s2 =	smul.u32 $0x27100, s2;
	s4 =	sor.u32 s13, s4  }
0xb: {  	s10 =	sadd.s32 s7, s0;
	s11 =	sshrl.u32 s9, $0x1;
	s20 =	sshrl.u32 s16, $0x2  }
0xc: {  	s13 =	simm.s32 $0x2C00;
	s16 =	simm.s32 $0x5;
	s4 =	smul.u32 $0x2710, s4  }
0xd: {  	s0 =	sadd.s32 s8, s0;
	s30 =	ssub.s32 s9, s11;
	s2 =	sadd.s32 s18, s2  }
0xe: {  	s10 =	sadd.s32 $0xC400, s10;
	s18 =	simm.s32 $0x4;
	s22 =	sadd.s32 $0x230, s2  }
0xf: {  	[dreg:$0xe] =	wrdreg s10;
	s0 =	sadd.s32 $0x82C00, s0;
	s8 =	smax.u32 s30, $0x1  }
0x10: {  	s25 =	sadd.s32 $0x1E0, s2;
	s26 =	sadd.s32 $0x190, s2;
	s30 =	sadd.s32 $0x140, s2  }
0x11: {  	s10 =	simm.s32 $0x50;
	s2 =	simm.s32 $0x8;
	s4 =	sshrl.u32 s4, $0x3  }
0x12: {  	s23 =	sshrl.u32 s22, $0x3;
	[dreg:$0x10] =	wrdreg s8;
	s8 =	sshrl.u32 s26, $0x3  }
0x13: {  	s0 =	sadd.s32 s7, s0;
	s22 =	smov.u32 s14;
	[dreg:$0x15] =	wrdreg s30  }
0x14: {  	s7 =	simm.s32 $0x380;
	s11 =	sadd.s32 s14, s4;
	[dreg:$0x13] =	wrdreg s0  }
0x15: {  	s26 =	simm.s32 $0x6;
	s12 =	sadd.s32 s6, s4;
	[dreg:$0x5] =	wrdreg s11  }
0x16: {  	s15 =	sadd.s32 $0xA, s4;
	s24 =	sadd.s32 s23, s6;
	[dreg:$0x6] =	wrdreg s12  }
0x17: {  	s17 =	sadd.s32 $0x14, s4;
	s12 =	sadd.s32 s14, s15;
	[dreg:$0x11] =	wrdreg s24  }
0x18: {  	s4 =	sadd.s32 $0x1E, s4;
	s9 =	sadd.s32 s6, s15;
	[dreg:$0x7] =	wrdreg s12  }
0x19: {  	s0 =	simm.s32 $0x300;
	s15 =	sadd.s32 s14, s17;
	[dreg:$0x8] =	wrdreg s9  }
0x1a: {  	s19 =	sadd.s32 s14, s4;
	s4 =	sadd.s32 s6, s4;
	[dreg:$0x9] =	wrdreg s15  }
0x1b: {  	s24 =	sadd.s32 s8, s6;
	s11 =	simm.s32 $0x400;
	[dreg:$0xb] =	wrdreg s19  }
0x1c: {  	s9 =	sadd.s32 s6, s17;
	[dreg:$0xc] =	wrdreg s4;
	s4 =	sadd.s32 s20, s3  }
0x1d: {  	s19 =	sor.u32 $0x1C09, s21;
	s12 =	simm.s32 $0x2;
	s15 =	simm.s32 $0x5400  }
0x1e: {  	s21 =	simm.s32 $0x7C00;
	s17 =	simm.s32 $0x7;
	[dreg:$0xa] =	wrdreg s9  }
.Ltmp0:
0x1f: {  	s20 =	simm.s32 $0x0;
	[dreg:$0xd] =	wrdreg s4;
	(pc) =	sbr.rel .LBB2_1-.Ltmp0, $4  }
0x20: {  	s4 =	sadd.s32 s23, s14;
	s9 =	simm.s32 $0x1;
	[dreg:$0xf] =	wrdreg s19  }
0x21: {  	[dreg:$0x12] =	wrdreg s4;
	s4 =	sshrl.u32 s25, $0x3;
	s25 =	sadd.s32 s8, s14  }
0x22: {  	s8 =	simm.s32 $0x9;
	s29 =	sadd.s32 s4, s6;
	s23 =	sadd.s32 s4, s14  }
0x23: {  	s4 =	simm.s32 $0x180;
	s14 =	simm.s32 $0x3;
	[dreg:$0x14] =	wrdreg s29  }
.LBB2_4:
0x24: {  	_ =	swait.ge [sflag:s2], $0x2800  }
0x25: {  	[sflag:s2] =	ssyncset.done $0x0  }
0x26: {  	[sflag:s2] =	ssyncadd.s32 $0xFFFFD800  }
0x27: {  	[spmem:s3] =	stream.indirect.scatter.add.f32 [tilespmem:s21], [sflag:$0x9], $0x80, s7, s10, $0xb8;
	[tilespmem:$0x1E000] =	vst v63  }
0x28: {  	_ =	swait.ge [sflag:s8], $0x2800  }
0x29: {  	[sflag:s8] =	ssyncset.done $0x0  }
0x2a: {  	[sflag:s8] =	ssyncadd.s32 $0xFFFFD800  }
0x2b: {  	_ =	swait.ge [sflag:s16], $0x2800  }
0x2c: {  	[sflag:s16] =	ssyncset.done $0x0  }
0x2d: {  	[sflag:s16] =	ssyncadd.s32 $0xFFFFD800  }
0x2e: {  	[spmem:s3] =	stream.indirect.scatter.add.f32 [tilespmem:s11], [sflag:$0x9], $0x80, s28, s10, $0xb8;
	[tilespmem:$0x1E000] =	vst v63  }
0x2f: {  	_ =	swait.ge [sflag:s8], $0x2800  }
0x30: {  	[sflag:s8] =	ssyncset.done $0x0  }
0x31: {  	[sflag:s8] =	ssyncadd.s32 $0xFFFFD800  }
0x32: {  	[bflag:$0x0] =	sbarrier.arrive $0xFFFF  }
0x33: {  	s19 =	rddreg [dreg:$0xf]  }
0x34: {  	s6 =	rddreg [dreg:$0x13]  }
0x35: {  	s20 =	rddreg [dreg:$0x17]  }
0x36: {  	[hbm:s6], [sflag:s19] =	dma.local [spmem:s20], $0x2780  }
0x37: {  	_ =	swait.ge [sflag:s8], $0x2780  }
0x38: {  	s29 =	rddreg [dreg:$0x16]  }
0x39: {  	s30 =	rddreg [dreg:$0x10];
	s20 =	sadd.s32 $0x1, s29  }
0x3a: {  	p0 =	sne.s32 s20, s30  }
.Ltmp1:
0x3b: {  	_ = 	snop;
	(pc) =	sbr.rel @!p0 .LBB2_5-.Ltmp1, $3  }
0x3c: {  	_ =	sdelay $0x1  }
0x3d: {  	[sflag:s8] =	ssyncset.done $0x0  }
0x3e: {  	[sflag:s8] =	ssyncadd.s32 $0xFFFFD880  }
.LBB2_1:
0x3f: {  	[dreg:$0x16] =	wrdreg s20  }
0x40: {  	s6 =	rddreg [dreg:$0x5]  }
0x41: {  	[tilespmem:s5], [sflag:$0x1] =	stream.linear.gather [hbm4b:s6+s5], $0x50, $0x38;
	[tilespmem:$0x1E000] =	vst v63  }
0x42: {  	s20 =	rddreg [dreg:$0x6]  }
0x43: {  	[tilespmem:s28], [sflag:$0x1] =	stream.linear.gather [hbm4b:s20+s5], $0x50, $0x38;
	[tilespmem:$0x1E000] =	vst v63  }
0x44: {  	s6 =	rddreg [dreg:$0x7];
	s20 =	simm.s32 $0x80  }
0x45: {  	[tilespmem:s20], [sflag:$0x2] =	stream.linear.gather [hbm4b:s6+s5], $0x50, $0x38;
	[tilespmem:$0x1E000] =	vst v63  }
0x46: {  	s29 =	simm.s32 $0x280;
	s6 =	rddreg [dreg:$0x8]  }
0x47: {  	[tilespmem:s29], [sflag:$0x2] =	stream.linear.gather [hbm4b:s6+s5], $0x50, $0x38;
	[tilespmem:$0x1E000] =	vst v63  }
0x48: {  	s6 =	rddreg [dreg:$0x9]  }
0x49: {  	[tilespmem:s31], [sflag:$0x3] =	stream.linear.gather [hbm4b:s6+s5], $0x50, $0x38;
	[tilespmem:$0x1E000] =	vst v63  }
0x4a: {  	s6 =	rddreg [dreg:$0xa]  }
0x4b: {  	[tilespmem:s0], [sflag:$0x3] =	stream.linear.gather [hbm4b:s6+s5], $0x50, $0x38;
	[tilespmem:$0x1E000] =	vst v63  }
0x4c: {  	s6 =	rddreg [dreg:$0xb]  }
0x4d: {  	[tilespmem:s4], [sflag:$0x4] =	stream.linear.gather [hbm4b:s6+s5], $0x50, $0x38;
	[tilespmem:$0x1E000] =	vst v63  }
0x4e: {  	s6 =	rddreg [dreg:$0xc]  }
0x4f: {  	[tilespmem:s7], [sflag:$0x4] =	stream.linear.gather [hbm4b:s6+s5], $0x50, $0x38;
	[tilespmem:$0x1E000] =	vst v63  }
0x50: {  	s6 =	rddreg [dreg:$0xd]  }
0x51: {  	s29 =	sshrl.u32 s6, $0x3;
	s6 =	rddreg [dreg:$0xe]  }
0x52: {  	[dreg:$0x17] =	wrdreg s29  }
0x53: {  	[spmem:s29], [sflag:s19] =	dma.local [hbm:s6], $0x2780  }
0x54: {  	_ =	swait.ge [sflag:s8], $0x2780  }
0x55: {  	[sflag:s8] =	ssyncset.done $0x0  }
0x56: {  	[sflag:s8] =	ssyncadd.s32 $0xFFFFD880  }
0x57: {  	_ =	swait.ge [sflag:s9], $0x50  }
0x58: {  	[sflag:s9] =	ssyncset.done $0x0  }
0x59: {  	[sflag:s9] =	ssyncadd.s32 $0xFFFFFFB0  }
0x5a: {  	_ =	swait.ge [sflag:s9], $0x50  }
0x5b: {  	[sflag:s9] =	ssyncset.done $0x0  }
0x5c: {  	[sflag:s9] =	ssyncadd.s32 $0xFFFFFFB0  }
0x5d: {  	[tilespmem:s11], [sflag:$0x5] =	stream.indirect.gather [hbm4b:s1+s10], $0x80, s5, s10, $0xb8;
	[tilespmem:$0x1E000] =	vst v63  }
0x5e: {  	_ =	swait.ge [sflag:s12], $0x50  }
0x5f: {  	[sflag:s12] =	ssyncset.done $0x0  }
0x60: {  	[sflag:s12] =	ssyncadd.s32 $0xFFFFFFB0  }
0x61: {  	_ =	swait.ge [sflag:s12], $0x50  }
0x62: {  	[sflag:s12] =	ssyncset.done $0x0  }
0x63: {  	[sflag:s12] =	ssyncadd.s32 $0xFFFFFFB0  }
0x64: {  	[tilespmem:s13], [sflag:$0x6] =	stream.indirect.gather [hbm4b:s1+s10], $0x80, s20, s10, $0xb8;
	[tilespmem:$0x1E000] =	vst v63  }
0x65: {  	_ =	swait.ge [sflag:s14], $0x50  }
0x66: {  	[sflag:s14] =	ssyncset.done $0x0  }
0x67: {  	[sflag:s14] =	ssyncadd.s32 $0xFFFFFFB0  }
0x68: {  	_ =	swait.ge [sflag:s14], $0x50  }
0x69: {  	[sflag:s14] =	ssyncset.done $0x0  }
0x6a: {  	[sflag:s14] =	ssyncadd.s32 $0xFFFFFFB0  }
0x6b: {  	[tilespmem:s15], [sflag:$0x7] =	stream.indirect.gather [hbm4b:s1+s10], $0x80, s31, s10, $0xb8;
	[tilespmem:$0x1E000] =	vst v63  }
0x6c: {  	[bflag:$0x0] =	sbarrier.arrive $0xFFFF  }
0x6d: {  	s30 =	simm.s32 $0x0;
	s29 =	rddreg [dreg:$0x15]  }
.LBB2_2:
0x6e: {  	_ =	swait.ge [sflag:s16], $0x2800  }
0x6f: {  	[sflag:s16] =	ssyncset.done $0x0  }
0x70: {  	[sflag:s16] =	ssyncadd.s32 $0xFFFFD800  }
0x71: {  	[spmem:s3] =	stream.indirect.scatter.add.f32 [tilespmem:s11], [sflag:$0x9], $0x80, s28, s10, $0xb8;
	[tilespmem:$0x1E000] =	vst v63  }
0x72: {  	_ =	swait.ge [sflag:s8], $0x2800  }
0x73: {  	s6 =	sshrl.u32 s29, $0x3;
	[sflag:s8] =	ssyncset.done $0x0  }
0x74: {  	s19 =	sadd.s32 s22, s6;
	[sflag:s8] =	ssyncadd.s32 $0xFFFFD800  }
0x75: {  	[tilespmem:s5], [sflag:$0x1] =	stream.linear.gather [hbm4b:s19+s5], $0x50, $0x38;
	[tilespmem:$0x1E000] =	vst v63  }
0x76: {  	s20 =	rddreg [dreg:$0x2]  }
0x77: {  	s6 =	sadd.s32 s20, s6  }
0x78: {  	[tilespmem:s28], [sflag:$0x1] =	stream.linear.gather [hbm4b:s6+s5], $0x50, $0x38;
	[tilespmem:$0x1E000] =	vst v63  }
0x79: {  	_ =	swait.ge [sflag:s18], $0x50  }
0x7a: {  	[sflag:s18] =	ssyncset.done $0x0  }
0x7b: {  	[sflag:s18] =	ssyncadd.s32 $0xFFFFFFB0  }
0x7c: {  	_ =	swait.ge [sflag:s18], $0x50  }
0x7d: {  	[sflag:s18] =	ssyncset.done $0x0  }
0x7e: {  	[sflag:s18] =	ssyncadd.s32 $0xFFFFFFB0  }
0x7f: {  	[tilespmem:s21], [sflag:$0x8] =	stream.indirect.gather [hbm4b:s1+s10], $0x80, s4, s10, $0xb8;
	[tilespmem:$0x1E000] =	vst v63  }
0x80: {  	_ =	swait.ge [sflag:s26], $0x2800  }
0x81: {  	[sflag:s26] =	ssyncset.done $0x0  }
0x82: {  	s20 =	simm.s32 $0x280;
	[sflag:s26] =	ssyncadd.s32 $0xFFFFD800  }
0x83: {  	[spmem:s3] =	stream.indirect.scatter.add.f32 [tilespmem:s13], [sflag:$0x9], $0x80, s20, s10, $0xb8;
	[tilespmem:$0x1E000] =	vst v63  }
0x84: {  	p0 =	seq.s32 s30, $0x4B0;
	_ =	swait.ge [sflag:s8], $0x2800  }
0x85: {  	s19 =	simm.s32 @!p0 $0x0;
	[sflag:s8] =	ssyncset.done $0x0  }
0x86: {  	s6 =	sadd.s32 @!p0 s30, s25;
	s20 =	simm.s32 @!p0 $0x80;
	[sflag:s8] =	ssyncadd.s32 $0xFFFFD800  }
0x87: {  	[tilespmem:s20], [sflag:$0x2] =	stream.linear.gather @!p0 [hbm4b:s6+s19], $0x50, $0x38;
	[tilespmem:$0x1E000] =	vst v63  }
0x88: {  	s6 =	sadd.s32 @!p0 s30, s24;
	s20 =	simm.s32 @!p0 $0x280  }
0x89: {  	[tilespmem:s20], [sflag:$0x2] =	stream.linear.gather @!p0 [hbm4b:s6+s19], $0x50, $0x38;
	[tilespmem:$0x1E000] =	vst v63  }
0x8a: {  	_ =	swait.ge [sflag:s9], $0x50  }
0x8b: {  	[sflag:s9] =	ssyncset.done $0x0  }
0x8c: {  	[sflag:s9] =	ssyncadd.s32 $0xFFFFFFB0  }
0x8d: {  	_ =	swait.ge [sflag:s9], $0x50  }
0x8e: {  	[sflag:s9] =	ssyncset.done $0x0  }
0x8f: {  	[sflag:s9] =	ssyncadd.s32 $0xFFFFFFB0  }
0x90: {  	[tilespmem:s11], [sflag:$0x5] =	stream.indirect.gather [hbm4b:s1+s10], $0x80, s5, s10, $0xb8;
	[tilespmem:$0x1E000] =	vst v63  }
0x91: {  	_ =	swait.ge [sflag:s17], $0x2800  }
0x92: {  	[sflag:s17] =	ssyncset.done $0x0  }
.Ltmp2:
0x93: {  	[sflag:s17] =	ssyncadd.s32 $0xFFFFD800;
	(pc) =	sbr.rel @p0 .LBB2_4-.Ltmp2, $4  }
0x94: {  	[spmem:s3] =	stream.indirect.scatter.add.f32 [tilespmem:s15], [sflag:$0x9], $0x80, s0, s10, $0xb8;
	[tilespmem:$0x1E000] =	vst v63  }
0x95: {  	_ =	swait.ge [sflag:s8], $0x2800  }
0x96: {  	[sflag:s8] =	ssyncset.done $0x0  }
0x97: {  	[sflag:s8] =	ssyncadd.s32 $0xFFFFD800  }
0x98: {  	s6 =	sadd.s32 s30, s23;
	s19 =	rddreg [dreg:$0x14]  }
0x99: {  	[tilespmem:s31], [sflag:$0x3] =	stream.linear.gather [hbm4b:s6+s5], $0x50, $0x38;
	[tilespmem:$0x1E000] =	vst v63  }
0x9a: {  	s6 =	sadd.s32 s30, s19  }
0x9b: {  	[tilespmem:s0], [sflag:$0x3] =	stream.linear.gather [hbm4b:s6+s5], $0x50, $0x38;
	[tilespmem:$0x1E000] =	vst v63  }
0x9c: {  	_ =	swait.ge [sflag:s12], $0x50  }
0x9d: {  	[sflag:s12] =	ssyncset.done $0x0  }
0x9e: {  	[sflag:s12] =	ssyncadd.s32 $0xFFFFFFB0  }
0x9f: {  	_ =	swait.ge [sflag:s12], $0x50  }
0xa0: {  	[sflag:s12] =	ssyncset.done $0x0  }
0xa1: {  	s20 =	simm.s32 $0x80;
	[sflag:s12] =	ssyncadd.s32 $0xFFFFFFB0  }
0xa2: {  	[tilespmem:s13], [sflag:$0x6] =	stream.indirect.gather [hbm4b:s1+s10], $0x80, s20, s10, $0xb8;
	[tilespmem:$0x1E000] =	vst v63  }
0xa3: {  	_ =	swait.ge [sflag:s2], $0x2800  }
0xa4: {  	[sflag:s2] =	ssyncset.done $0x0  }
0xa5: {  	[sflag:s2] =	ssyncadd.s32 $0xFFFFD800  }
0xa6: {  	[spmem:s3] =	stream.indirect.scatter.add.f32 [tilespmem:s21], [sflag:$0x9], $0x80, s7, s10, $0xb8;
	[tilespmem:$0x1E000] =	vst v63  }
0xa7: {  	_ =	swait.ge [sflag:s8], $0x2800  }
0xa8: {  	[sflag:s8] =	ssyncset.done $0x0;
	s19 =	rddreg [dreg:$0x12]  }
0xa9: {  	s20 =	rddreg [dreg:$0x11];
	[sflag:s8] =	ssyncadd.s32 $0xFFFFD800;
	s6 =	sadd.s32 s30, s19  }
0xaa: {  	[tilespmem:s4], [sflag:$0x4] =	stream.linear.gather [hbm4b:s6+s5], $0x50, $0x38;
	[tilespmem:$0x1E000] =	vst v63  }
0xab: {  	s6 =	sadd.s32 s30, s20  }
0xac: {  	[tilespmem:s7], [sflag:$0x4] =	stream.linear.gather [hbm4b:s6+s5], $0x50, $0x38;
	[tilespmem:$0x1E000] =	vst v63  }
0xad: {  	_ =	swait.ge [sflag:s14], $0x50  }
0xae: {  	[sflag:s14] =	ssyncset.done $0x0  }
.Ltmp3:
0xaf: {  	[sflag:s14] =	ssyncadd.s32 $0xFFFFFFB0;
	(pc) =	sbr.rel .LBB2_2-.Ltmp3, $4  }
0xb0: {  	_ =	swait.ge [sflag:s14], $0x50  }
0xb1: {  	[sflag:s14] =	ssyncset.done $0x0  }
0xb2: {  	s29 =	sadd.s32 $0x140, s29;
	s30 =	sadd.s32 $0x28, s30;
	[sflag:s14] =	ssyncadd.s32 $0xFFFFFFB0  }
0xb3: {  	[tilespmem:s15], [sflag:$0x7] =	stream.indirect.gather [hbm4b:s1+s10], $0x80, s31, s10, $0xb8;
	[tilespmem:$0x1E000] =	vst v63  }
.LBB2_5:
0xb4: {  	_ =	sfence.sel $0x180000  }
0xb5: {  	[bflag:$0x0] =	sbarrier.arrive $0xFFFF  }
0xb6: {  	_ =	strace $0x9000004A  }
0xb7: {  	s0 =	stileid.u32;
	[bflag:$0x2] =	sbarrier.arrive $0xFFFF  }
0xb8: {  	p0 =	sne.s32 s0, $0x0;
	s0 =	rddreg [dreg:$0x4]  }
0xb9: {  	s0 =	sadd.s32 @!p0 $0x100000, s0  }
0xba: {  	[sflag:s0] =	ssyncadd.tile.s32 @!p0 $0x1;
	_ =	shalt  }
.Lfunc_end2:
_tile_overlayer_lowered:
.L_overlay_start_2:
0xbb: {  	(tag) =	ssettag $0x2  }
0xbc: {  	s0 =	rddreg [dreg:$0x0];
	s2 =	stileid.u32  }
0xbd: {  	s1 =	rddreg [dreg:$0x1];
	p0 =	sne.s32 s2, $0x0  }
0xbe: {  	s3 =	rddreg [dreg:$0x2];
	[bflag:$0x3] =	sbarrier.arrive $0xFFFF;
	s2 =	simm.s32 @!p0 $0x1C09  }
0xbf: {  	[timem:s3], [sflag:s2] =	dma.local @!p0 [hbm:s0], s1  }
0xc0: {  	s0 =	simm.s32 @!p0 $0x9  }
0xc1: {  	_ =	swait.ge @!p0 [sflag:s0], s1  }
0xc2: {  	s1 =	ssub.s32 @!p0 $0x0, s1;
	[sflag:s0] =	ssyncset.done @!p0 $0x0  }
0xc3: {  	[sflag:s0] =	ssyncadd.s32 @!p0 s1  }
0xc4: {  	[bflag:$0x3] =	sbarrier.arrive $0xFFFF  }
0xc5: {  	_ =	shalt  }

// kernel: kernel.13.cloned.1.call-start
scs
__scs_entry_jumppad:
0x0: {  	(pc) =	sbr.rel $0x88, $3  }
0x1: {  	(tag) =	ssettag $0x0;
	lr =	simm.s32 $0x1  }
0x2: {  	[smem:$0x3F97] =	sst lr;
	_ =	strace $0xD0000000  }
0x3: {  	_ = 	snop  }
0x4: {  	_ = 	snop  }
0x5: {  	_ = 	snop  }
0x6: {  	_ = 	snop  }
0x7: {  	_ = 	snop  }
__scs_overlays_trampoline_lowered:
0x8: {  	[smem:$0x3FA6] =	sst s0  }
0x9: {  	[smem:$0x3FA7] =	sst s1  }
0xa: {  	[smem:$0x3FA8] =	sst s2  }
0xb: {  	[smem:$0x3FA9] =	sst s3  }
0xc: {  	[smem:$0x3FAA] =	sst s4  }
0xd: {  	[smem:$0x3FAB] =	sst s5  }
0xe: {  	[smem:$0x3FAC] =	sst s6  }
0xf: {  	[smem:$0x3FAD] =	sst s7  }
0x10: {  	[smem:$0x3FAE] =	sst s8  }
0x11: {  	[smem:$0x3FAF] =	sst s9;
	s0 =	simm.s32 @!p0 $0x0  }
0x12: {  	s1 =	sld [smem:$0x3F95];
	s0 =	simm.s32 @p0 $0x1  }
0x13: {  	[smem:$0x3FB0] =	sst s0;
	s0 =	simm.s32 @!p1 $0x0  }
0x14: {  	s2 =	sld [smem:$0x3F94];
	s0 =	simm.s32 @p1 $0x1  }
0x15: {  	[smem:$0x3FB1] =	sst s0;
	s0 =	simm.s32 @!p2 $0x0  }
0x16: {  	s3 =	sld [smem:$0x3FDB];
	s0 =	simm.s32 @p2 $0x1  }
0x17: {  	s4 =	simm.s32 $0x1BF5;
	[smem:$0x3FB3] =	sst s0  }
0x18: {  	s0 =	sld [smem:$0x3F96];
	_ =	swait.ge [sflag:s4], $0x0  }
0x19: {  	s7 =	sld [smem:$0x3F97]  }
0x1a: {  	s8 =	sadd.s32 $0xFFFFE003, lr  }
0x1b: {  	s9 =	sadd.s32 $0xFFFFFEF7, lr;
	s5 =	simm.s32 $0xFFFFFFFF;
	p2 =	slt.u32 s8, $0xFFFFF086  }
0x1c: {  	p1 =	slt.u32 s9, $0xF7A;
	s5 =	simm.s32 @!p2 $0x0  }
0x1d: {  	s5 =	simm.s32 @p1 $0x1;
	p0 =	seq.s32 s7, s2  }
0x1e: {  	s7 =	smul.u32 @!p0 $0xF7A, s2;
	p2 =	seq.s32 @!p0 s5, $0x0  }
0x1f: {  	s9 =	smul.u32 $0xF7A, s1;
	s8 =	simm.s32 @!p0 $0x1BF5;
	p2 =	por !p2, p0  }
0x20: {  	[sflag:s8] =	ssyncset.s32 @!p0 $0xFFFFF086;
	s6 =	sadd.s32 @!p0 s3, s7;
	s7 =	simm.s32 @!p0 $0x108  }
0x21: {  	s3 =	sadd.s32 s3, s9;
	s6 =	sadd.s32 @!p0 $0x88, s6;
	s7 =	simm.s32 @p2 $0x1082  }
0x22: {  	[simem:s7], [sflag:s8] =	dma.local @!p0 [hbm:s6], $0xF7A  }
0x23: {  	s9 =	sor.u32 $0xD0000000, s2;
	s6 =	simm.s32 $0x108;
	_ =	swait.ge @!p0 [sflag:s8], $0x0  }
0x24: {  	s3 =	sadd.s32 $0x88, s3;
	s6 =	simm.s32 @!p1 $0x1082;
	[sflag:s4] =	ssyncset.s32 $0xFFFFF086  }
0x25: {  	[simem:s6], [sflag:s4] =	dma.local [hbm:s3], $0xF7A  }
0x26: {  	[smem:$0x3F97] =	sst s1;
	(tag) =	ssettag s2;
	_ =	strace s9  }
0x27: {  	s1 =	sld [smem:$0x3FA7]  }
0x28: {  	s2 =	sld [smem:$0x3FA8]  }
0x29: {  	s4 =	sld [smem:$0x3FAA]  }
0x2a: {  	p0 =	seq.s32 s5, $0x0;
	s5 =	sld [smem:$0x3FAB]  }
0x2b: {  	s6 =	sld [smem:$0x3FAC]  }
0x2c: {  	s7 =	sld [smem:$0x3FAD]  }
0x2d: {  	s3 =	simm.s32 $0x108;
	s8 =	sld [smem:$0x3FAE]  }
0x2e: {  	s3 =	simm.s32 @!p0 $0x1082;
	s9 =	sld [smem:$0x3FAF]  }
0x2f: {  	lr =	sadd.s32 s0, s3;
	s0 =	sld [smem:$0x3FA6]  }
0x30: {  	s3 =	sld [smem:$0x3FA9]  }
0x31: {  	[smem:$0x3FB2] =	sst s10  }
0x32: {  	s10 =	sld [smem:$0x3FB0];
	_ =	sdelay $0x3  }
0x33: {  	p0 =	seq.s32 s10, $0x1;
	s10 =	sld [smem:$0x3FB2];
	_ =	sdelay $0x3  }
0x34: {  	[smem:$0x3FB2] =	sst s10  }
0x35: {  	s10 =	sld [smem:$0x3FB1];
	_ =	sdelay $0x3  }
0x36: {  	p1 =	seq.s32 s10, $0x1;
	s10 =	sld [smem:$0x3FB2];
	_ =	sdelay $0x3  }
0x37: {  	[smem:$0x3FB2] =	sst s10  }
0x38: {  	s10 =	sld [smem:$0x3FB3]  }
0x39: {  	_ = 	snop;
	(pc) =	sbr.ind lr, $3  }
0x3a: {  	_ = 	snop  }
0x3b: {  	_ = 	snop  }
0x3c: {  	p2 =	seq.s32 s10, $0x1;
	s10 =	sld [smem:$0x3FB2]  }
0x3d: {  	_ =	shalt  }
0x3e: {  	_ =	shalt  }
0x3f: {  	_ =	shalt  }
0x40: {  	_ =	shalt  }
0x41: {  	_ =	shalt  }
0x42: {  	_ =	shalt  }
0x43: {  	_ =	shalt  }
0x44: {  	_ =	shalt  }
0x45: {  	_ =	shalt  }
0x46: {  	_ =	shalt  }
0x47: {  	_ =	shalt  }
0x48: {  	_ =	shalt  }
0x49: {  	_ =	shalt  }
0x4a: {  	_ =	shalt  }
0x4b: {  	_ =	shalt  }
0x4c: {  	_ =	shalt  }
0x4d: {  	_ =	shalt  }
0x4e: {  	_ =	shalt  }
0x4f: {  	_ =	shalt  }
0x50: {  	_ =	shalt  }
0x51: {  	_ =	shalt  }
0x52: {  	_ =	shalt  }
0x53: {  	_ =	shalt  }
0x54: {  	_ =	shalt  }
0x55: {  	_ =	shalt  }
0x56: {  	_ =	shalt  }
0x57: {  	_ =	shalt  }
0x58: {  	_ =	shalt  }
0x59: {  	_ =	shalt  }
0x5a: {  	_ =	shalt  }
0x5b: {  	_ =	shalt  }
0x5c: {  	_ =	shalt  }
0x5d: {  	_ =	shalt  }
0x5e: {  	_ =	shalt  }
0x5f: {  	_ =	shalt  }
0x60: {  	_ =	shalt  }
0x61: {  	_ =	shalt  }
0x62: {  	_ =	shalt  }
0x63: {  	_ =	shalt  }
0x64: {  	_ =	shalt  }
0x65: {  	_ =	shalt  }
0x66: {  	_ =	shalt  }
0x67: {  	_ =	shalt  }
0x68: {  	_ =	shalt  }
0x69: {  	_ =	shalt  }
0x6a: {  	_ =	shalt  }
0x6b: {  	_ =	shalt  }
0x6c: {  	_ =	shalt  }
0x6d: {  	_ =	shalt  }
0x6e: {  	_ =	shalt  }
0x6f: {  	_ =	shalt  }
0x70: {  	_ =	shalt  }
0x71: {  	_ =	shalt  }
0x72: {  	_ =	shalt  }
0x73: {  	_ =	shalt  }
0x74: {  	_ =	shalt  }
0x75: {  	_ =	shalt  }
0x76: {  	_ =	shalt  }
0x77: {  	_ =	shalt  }
0x78: {  	_ =	shalt  }
0x79: {  	_ =	shalt  }
0x7a: {  	_ =	shalt  }
0x7b: {  	_ =	shalt  }
0x7c: {  	_ =	shalt  }
0x7d: {  	_ =	shalt  }
0x7e: {  	_ =	shalt  }
0x7f: {  	_ =	shalt  }
0x80: {  	_ =	shalt  }
0x81: {  	_ =	shalt  }
0x82: {  	_ =	shalt  }
0x83: {  	_ =	shalt  }
0x84: {  	_ =	shalt  }
0x85: {  	_ =	shalt  }
0x86: {  	_ =	shalt  }
0x87: {  	_ =	shalt  }
.Lfunc_end0:
.L_simem_size_0:
called_computation.2_lowered:
.L_overlay_start_0:
0x88: {  	s2 =	sld [smem:$0x3FD9]  }
0x89: {  	s3 =	sld [smem:$0x3FFE];
	_ =	sdelay $0x1  }
0x8a: {  	s1 =	srdreg.scid  }
0x8b: {  	s0 =	sand.u32 $0x1, s1  }
0x8c: {  	s17 =	sshll.u32 s0, $0xA;
	s2 =	sadd.s32 s3, s2  }
0x8d: {  	s2 =	sadd.s32 s2, s17  }
0x8e: {  	[smem:$0x3FBE] =	sst s2  }
0x8f: {  	_ = 	snop  }
0x90: {  	s2 =	sld [smem:$0x3FD0];
	(tm) =	ssettm $0x1  }
0x91: {  	s18 =	sld [smem:$0x3FFB];
	_ =	sdelay $0x3  }
0x92: {  	_ =	strace s18  }
0x93: {  	s3 =	sld [smem:$0x3FFC];
	_ =	sdelay $0x3  }
0x94: {  	_ =	strace s3  }
0x95: {  	s3 =	sld [smem:$0x3FFD];
	_ =	sdelay $0x3  }
0x96: {  	_ =	strace s3  }
0x97: {  	_ =	strace $0x8FFFFFFF  }
0x98: {  	s19 =	sld [smem:$0x3FDB];
	_ =	sdelay $0x1  }
0x99: {  	s4 =	simm.s32 $_scs_section_size  }
0x9a: {  	s5 =	simm.s32 $_size__tile_overlayer_lowered;
	s6 =	simm.s32 $_tile_overlayer_lowered  }
0x9b: {  	s22 =	simm.s32 $0x1BFF;
	s21 =	sshll.u32 s6, $0x1;
	s3 =	sadd.s32 s4, s19  }
0x9c: {  	s7 =	simm.s32 $0x0;
	s20 =	sshll.u32 s5, $0x1;
	s5 =	sadd.s32 s21, s3  }
0x9d: {  	[timem:s7], [sflag:s22] =	dma.local [hbm:s5], s20  }
0x9e: {  	_ =	swait.ge [sflag:s22], s20  }
0x9f: {  	s4 =	ssub.s32 $0x0, s20;
	[sflag:s22] =	ssyncset.done $0x0  }
0xa0: {  	[sflag:s22] =	ssyncadd.s32 s4;
	_ =	sdelay $0x1  }
0xa1: {  	s23 =	simm.s32 $0x1B8B  }
0xa2: {  	_ =	swait.ge [sflag:s23], $0x1  }
0xa3: {  	[sflag:s23] =	ssyncset.done $0x0  }
0xa4: {  	s25 =	simm.s32 $0x1B8E;
	s24 =	sld [smem:$0x3FFE];
	[sflag:s23] =	ssyncadd.s32 $0xFFFFFFFF  }
0xa5: {  	s26 =	simm.s32 $execute0_lowered;
	[smem:$0x3FD2] =	sst s25  }
0xa6: {  	s5 =	sshll.u32 s26, $0x1;
	_ =	strace $0x8000004C;
	[dreg:$0x1] =	wrdreg $0xFFFFFFFF  }
0xa7: {  	s28 =	simm.s32 $_size_execute0_lowered;
	s3 =	sadd.s32 s3, s5;
	[dreg:$0x0] =	wrdreg $0x0  }
0xa8: {  	s5 =	sshll.u32 s28, $0x1;
	[dreg:$0x2] =	wrdreg s3  }
0xa9: {  	[dreg:$0x3] =	wrdreg s5  }
0xaa: {  	[dreg:$0x4] =	wrdreg $0xC0  }
0xab: {  	_ =	task [dreg:s7], $0x5FFFF  }
0xac: {  	[dreg:$0x1] =	wrdreg $0xFFFFFFFF  }
0xad: {  	[dreg:$0x0] =	wrdreg $0x60  }
0xae: {  	[dreg:$0x2] =	wrdreg s24  }
0xaf: {  	[dreg:$0x3] =	wrdreg s2  }
0xb0: {  	[dreg:$0x4] =	wrdreg $0xA4000  }
0xb1: {  	[dreg:$0x5] =	wrdreg $0x9  }
0xb2: {  	_ =	task.clear_ibuf [dreg:s7], $0x6FFFF;
	_ =	strace $0x9000004C  }
0xb3: {  	s29 =	simm.s32 $0x9;
	_ =	strace $0x8000004E  }
0xb4: {  	_ =	swait.ge [sflag:s29], $0x1  }
0xb5: {  	[sflag:s29] =	ssyncadd.s32 $0xFFFFFFFF  }
0xb6: {  	_ =	strace $0x9000004E  }
0xb7: {  	_ =	sfence  }
0xb8: {  	s30 =	sld [smem:$0x0];
	_ =	sdelay $0x2  }
0xb9: {  	s31 =	sshll.u32 s1, $0xD;
	s1 =	sshrl.u32 s1, $0x2  }
0xba: {  	s3 =	sand.u32 $0x4000, s31;
	s1 =	sadd.s32 s1, s30  }
0xbb: {  	s0 =	sor.u32 s3, s0;
	s1 =	sshll.u32 s1, $0x11  }
0xbc: {  	s0 =	sor.u32 s1, s0  }
0xbd: {  	s0 =	sadd.s32 $0x8F2B, s0  }
0xbe: {  	[sflag:s0] =	ssyncadd.remote.s32 $0x1  }
0xbf: {  	_ =	sfence.sel $0xFFFF  }
0xc0: {  	[dreg:$0x0] =	wrdreg $0xFFFFFFFF;
	(pc) =	sbr.abs _section_cstart, $3  }
0xc1: {  	[dreg:$0x1] =	wrdreg $0xFFFFFFFF  }
0xc2: {  	_ =	task.clear_ibuf [dreg:s7], $0x2FFFF;
	_ =	strace $0x9FFFFFFF  }
0xc3: {  	(tm) =	ssettm $0x7FFFFFFF  }
tec
execute0_lowered:
.L_overlay_start_1:
0x0: {  	(tag) =	ssettag $0x1  }
0x1: {  	s0 =	rddreg [dreg:$0x0]  }
0x2: {  	s6 =	rddreg [dreg:$0x1]  }
0x3: {  	s2 =	rddreg [dreg:$0x2];
	s1 =	srdreg.scid  }
0x4: {  	s4 =	simm.s32 $0x0;
	s13 =	stileid.u32;
	s28 =	simm.s32 $0x200  }
0x5: {  	s31 =	simm.s32 $0x100;
	s1 =	sand.u32 $0x1, s1;
	s7 =	smul.u32 $0x2780, s13  }
0x6: {  	[smem:$0x7FF] =	sst s4;
	s5 =	sadd.s32 $0x33C00, s0;
	s16 =	smul.u32 $0x4F000, s13  }
0x7: {  	s14 =	sadd.s32 $0x2000, s0;
	s18 =	smul.u32 $0x2710, s13;
	s21 =	sshll.u32 s13, $0x6  }
0x8: {  	s3 =	sshll.u32 s1, $0x4;
	_ =	strace $0x8000004D;
	s8 =	smul.u32 $0x27800, s1  }
0x9: {  	s9 =	ssub.s32 $0x2, s1;
	s1 =	smul.u32 $0x27100, s1;
	s3 =	sor.u32 s13, s3  }
0xa: {  	s10 =	sadd.s32 s7, s0;
	s11 =	sshrl.u32 s9, $0x1;
	s20 =	sshrl.u32 s16, $0x2  }
0xb: {  	s13 =	simm.s32 $0x2C00;
	s16 =	simm.s32 $0x5;
	s3 =	smul.u32 $0x2710, s3  }
0xc: {  	s0 =	sadd.s32 s8, s0;
	s30 =	ssub.s32 s9, s11;
	s1 =	sadd.s32 s18, s1  }
0xd: {  	s10 =	sadd.s32 $0xC400, s10;
	s18 =	simm.s32 $0x4;
	s22 =	sadd.s32 $0x230, s1  }
0xe: {  	[dreg:$0xd] =	wrdreg s10;
	s0 =	sadd.s32 $0x5AE00, s0;
	s8 =	smax.u32 s30, $0x1  }
0xf: {  	s25 =	sadd.s32 $0x1E0, s1;
	s26 =	sadd.s32 $0x190, s1;
	s30 =	sadd.s32 $0x140, s1  }
0x10: {  	s10 =	simm.s32 $0x50;
	s1 =	simm.s32 $0x8;
	s3 =	sshrl.u32 s3, $0x3  }
0x11: {  	s23 =	sshrl.u32 s22, $0x3;
	[dreg:$0xf] =	wrdreg s8;
	s8 =	sshrl.u32 s26, $0x3  }
0x12: {  	s0 =	sadd.s32 s7, s0;
	s22 =	smov.u32 s14;
	[dreg:$0x14] =	wrdreg s30  }
0x13: {  	s7 =	simm.s32 $0x380;
	s11 =	sadd.s32 s14, s3;
	[dreg:$0x12] =	wrdreg s0  }
0x14: {  	s26 =	simm.s32 $0x6;
	s12 =	sadd.s32 s6, s3;
	[dreg:$0x4] =	wrdreg s11  }
0x15: {  	s15 =	sadd.s32 $0xA, s3;
	s24 =	sadd.s32 s23, s6;
	[dreg:$0x5] =	wrdreg s12  }
0x16: {  	s17 =	sadd.s32 $0x14, s3;
	s12 =	sadd.s32 s14, s15;
	[dreg:$0x10] =	wrdreg s24  }
0x17: {  	s3 =	sadd.s32 $0x1E, s3;
	s9 =	sadd.s32 s6, s15;
	[dreg:$0x6] =	wrdreg s12  }
0x18: {  	s0 =	simm.s32 $0x300;
	s15 =	sadd.s32 s14, s17;
	[dreg:$0x7] =	wrdreg s9  }
0x19: {  	s19 =	sadd.s32 s14, s3;
	s3 =	sadd.s32 s6, s3;
	[dreg:$0x8] =	wrdreg s15  }
0x1a: {  	s24 =	sadd.s32 s8, s6;
	s11 =	simm.s32 $0x400;
	[dreg:$0xa] =	wrdreg s19  }
0x1b: {  	s9 =	sadd.s32 s6, s17;
	[dreg:$0xb] =	wrdreg s3;
	s3 =	sadd.s32 s20, s2  }
0x1c: {  	s19 =	sor.u32 $0x1C09, s21;
	s12 =	simm.s32 $0x2;
	s15 =	simm.s32 $0x5400  }
0x1d: {  	s21 =	simm.s32 $0x7C00;
	s17 =	simm.s32 $0x7;
	[dreg:$0x9] =	wrdreg s9  }
.Ltmp0:
0x1e: {  	s20 =	simm.s32 $0x0;
	[dreg:$0xc] =	wrdreg s3;
	(pc) =	sbr.rel .LBB2_1-.Ltmp0, $4  }
0x1f: {  	s3 =	sadd.s32 s23, s14;
	s9 =	simm.s32 $0x1;
	[dreg:$0xe] =	wrdreg s19  }
0x20: {  	[dreg:$0x11] =	wrdreg s3;
	s3 =	sshrl.u32 s25, $0x3;
	s25 =	sadd.s32 s8, s14  }
0x21: {  	s8 =	simm.s32 $0x9;
	s29 =	sadd.s32 s3, s6;
	s23 =	sadd.s32 s3, s14  }
0x22: {  	s3 =	simm.s32 $0x180;
	s14 =	simm.s32 $0x3;
	[dreg:$0x13] =	wrdreg s29  }
.LBB2_4:
0x23: {  	_ =	swait.ge [sflag:s1], $0x2800  }
0x24: {  	[sflag:s1] =	ssyncset.done $0x0  }
0x25: {  	[sflag:s1] =	ssyncadd.s32 $0xFFFFD800  }
0x26: {  	[spmem:s2] =	stream.indirect.scatter.add.f32 [tilespmem:s21], [sflag:$0x9], $0x80, s7, s10, $0xb8;
	[tilespmem:$0x1E000] =	vst v63  }
0x27: {  	_ =	swait.ge [sflag:s8], $0x2800  }
0x28: {  	[sflag:s8] =	ssyncset.done $0x0  }
0x29: {  	[sflag:s8] =	ssyncadd.s32 $0xFFFFD800  }
0x2a: {  	_ =	swait.ge [sflag:s16], $0x2800  }
0x2b: {  	[sflag:s16] =	ssyncset.done $0x0  }
0x2c: {  	[sflag:s16] =	ssyncadd.s32 $0xFFFFD800  }
0x2d: {  	[spmem:s2] =	stream.indirect.scatter.add.f32 [tilespmem:s11], [sflag:$0x9], $0x80, s28, s10, $0xb8;
	[tilespmem:$0x1E000] =	vst v63  }
0x2e: {  	_ =	swait.ge [sflag:s8], $0x2800  }
0x2f: {  	[sflag:s8] =	ssyncset.done $0x0  }
0x30: {  	[sflag:s8] =	ssyncadd.s32 $0xFFFFD800  }
0x31: {  	[bflag:$0x0] =	sbarrier.arrive $0xFFFF  }
0x32: {  	s19 =	rddreg [dreg:$0xe]  }
0x33: {  	s6 =	rddreg [dreg:$0x12]  }
0x34: {  	s20 =	rddreg [dreg:$0x16]  }
0x35: {  	[hbm:s6], [sflag:s19] =	dma.local [spmem:s20], $0x2780  }
0x36: {  	_ =	swait.ge [sflag:s8], $0x2780  }
0x37: {  	s29 =	rddreg [dreg:$0x15]  }
0x38: {  	s30 =	rddreg [dreg:$0xf];
	s20 =	sadd.s32 $0x1, s29  }
0x39: {  	p0 =	sne.s32 s20, s30  }
.Ltmp1:
0x3a: {  	_ = 	snop;
	(pc) =	sbr.rel @!p0 .LBB2_5-.Ltmp1, $3  }
0x3b: {  	_ =	sdelay $0x1  }
0x3c: {  	[sflag:s8] =	ssyncset.done $0x0  }
0x3d: {  	[sflag:s8] =	ssyncadd.s32 $0xFFFFD880  }
.LBB2_1:
0x3e: {  	[dreg:$0x15] =	wrdreg s20  }
0x3f: {  	s6 =	rddreg [dreg:$0x4]  }
0x40: {  	[tilespmem:s4], [sflag:$0x1] =	stream.linear.gather [hbm4b:s6+s4], $0x50, $0x38;
	[tilespmem:$0x1E000] =	vst v63  }
0x41: {  	s20 =	rddreg [dreg:$0x5]  }
0x42: {  	[tilespmem:s28], [sflag:$0x1] =	stream.linear.gather [hbm4b:s20+s4], $0x50, $0x38;
	[tilespmem:$0x1E000] =	vst v63  }
0x43: {  	s6 =	rddreg [dreg:$0x6];
	s20 =	simm.s32 $0x80  }
0x44: {  	[tilespmem:s20], [sflag:$0x2] =	stream.linear.gather [hbm4b:s6+s4], $0x50, $0x38;
	[tilespmem:$0x1E000] =	vst v63  }
0x45: {  	s29 =	simm.s32 $0x280;
	s6 =	rddreg [dreg:$0x7]  }
0x46: {  	[tilespmem:s29], [sflag:$0x2] =	stream.linear.gather [hbm4b:s6+s4], $0x50, $0x38;
	[tilespmem:$0x1E000] =	vst v63  }
0x47: {  	s6 =	rddreg [dreg:$0x8]  }
0x48: {  	[tilespmem:s31], [sflag:$0x3] =	stream.linear.gather [hbm4b:s6+s4], $0x50, $0x38;
	[tilespmem:$0x1E000] =	vst v63  }
0x49: {  	s6 =	rddreg [dreg:$0x9]  }
0x4a: {  	[tilespmem:s0], [sflag:$0x3] =	stream.linear.gather [hbm4b:s6+s4], $0x50, $0x38;
	[tilespmem:$0x1E000] =	vst v63  }
0x4b: {  	s6 =	rddreg [dreg:$0xa]  }
0x4c: {  	[tilespmem:s3], [sflag:$0x4] =	stream.linear.gather [hbm4b:s6+s4], $0x50, $0x38;
	[tilespmem:$0x1E000] =	vst v63  }
0x4d: {  	s6 =	rddreg [dreg:$0xb]  }
0x4e: {  	[tilespmem:s7], [sflag:$0x4] =	stream.linear.gather [hbm4b:s6+s4], $0x50, $0x38;
	[tilespmem:$0x1E000] =	vst v63  }
0x4f: {  	s6 =	rddreg [dreg:$0xc]  }
0x50: {  	s29 =	sshrl.u32 s6, $0x3;
	s6 =	rddreg [dreg:$0xd]  }
0x51: {  	[dreg:$0x16] =	wrdreg s29  }
0x52: {  	[spmem:s29], [sflag:s19] =	dma.local [hbm:s6], $0x2780  }
0x53: {  	_ =	swait.ge [sflag:s8], $0x2780  }
0x54: {  	[sflag:s8] =	ssyncset.done $0x0  }
0x55: {  	[sflag:s8] =	ssyncadd.s32 $0xFFFFD880  }
0x56: {  	_ =	swait.ge [sflag:s9], $0x50  }
0x57: {  	[sflag:s9] =	ssyncset.done $0x0  }
0x58: {  	[sflag:s9] =	ssyncadd.s32 $0xFFFFFFB0  }
0x59: {  	_ =	swait.ge [sflag:s9], $0x50  }
0x5a: {  	[sflag:s9] =	ssyncset.done $0x0  }
0x5b: {  	[sflag:s9] =	ssyncadd.s32 $0xFFFFFFB0  }
0x5c: {  	[tilespmem:s11], [sflag:$0x5] =	stream.indirect.gather [hbm4b:s5+s10], $0x80, s4, s10, $0xb8;
	[tilespmem:$0x1E000] =	vst v63  }
0x5d: {  	_ =	swait.ge [sflag:s12], $0x50  }
0x5e: {  	[sflag:s12] =	ssyncset.done $0x0  }
0x5f: {  	[sflag:s12] =	ssyncadd.s32 $0xFFFFFFB0  }
0x60: {  	_ =	swait.ge [sflag:s12], $0x50  }
0x61: {  	[sflag:s12] =	ssyncset.done $0x0  }
0x62: {  	[sflag:s12] =	ssyncadd.s32 $0xFFFFFFB0  }
0x63: {  	[tilespmem:s13], [sflag:$0x6] =	stream.indirect.gather [hbm4b:s5+s10], $0x80, s20, s10, $0xb8;
	[tilespmem:$0x1E000] =	vst v63  }
0x64: {  	_ =	swait.ge [sflag:s14], $0x50  }
0x65: {  	[sflag:s14] =	ssyncset.done $0x0  }
0x66: {  	[sflag:s14] =	ssyncadd.s32 $0xFFFFFFB0  }
0x67: {  	_ =	swait.ge [sflag:s14], $0x50  }
0x68: {  	[sflag:s14] =	ssyncset.done $0x0  }
0x69: {  	[sflag:s14] =	ssyncadd.s32 $0xFFFFFFB0  }
0x6a: {  	[tilespmem:s15], [sflag:$0x7] =	stream.indirect.gather [hbm4b:s5+s10], $0x80, s31, s10, $0xb8;
	[tilespmem:$0x1E000] =	vst v63  }
0x6b: {  	[bflag:$0x0] =	sbarrier.arrive $0xFFFF  }
0x6c: {  	s30 =	simm.s32 $0x0;
	s29 =	rddreg [dreg:$0x14]  }
.LBB2_2:
0x6d: {  	_ =	swait.ge [sflag:s16], $0x2800  }
0x6e: {  	[sflag:s16] =	ssyncset.done $0x0  }
0x6f: {  	[sflag:s16] =	ssyncadd.s32 $0xFFFFD800  }
0x70: {  	[spmem:s2] =	stream.indirect.scatter.add.f32 [tilespmem:s11], [sflag:$0x9], $0x80, s28, s10, $0xb8;
	[tilespmem:$0x1E000] =	vst v63  }
0x71: {  	_ =	swait.ge [sflag:s8], $0x2800  }
0x72: {  	s6 =	sshrl.u32 s29, $0x3;
	[sflag:s8] =	ssyncset.done $0x0  }
0x73: {  	s19 =	sadd.s32 s22, s6;
	[sflag:s8] =	ssyncadd.s32 $0xFFFFD800  }
0x74: {  	[tilespmem:s4], [sflag:$0x1] =	stream.linear.gather [hbm4b:s19+s4], $0x50, $0x38;
	[tilespmem:$0x1E000] =	vst v63  }
0x75: {  	s20 =	rddreg [dreg:$0x1]  }
0x76: {  	s6 =	sadd.s32 s20, s6  }
0x77: {  	[tilespmem:s28], [sflag:$0x1] =	stream.linear.gather [hbm4b:s6+s4], $0x50, $0x38;
	[tilespmem:$0x1E000] =	vst v63  }
0x78: {  	_ =	swait.ge [sflag:s18], $0x50  }
0x79: {  	[sflag:s18] =	ssyncset.done $0x0  }
0x7a: {  	[sflag:s18] =	ssyncadd.s32 $0xFFFFFFB0  }
0x7b: {  	_ =	swait.ge [sflag:s18], $0x50  }
0x7c: {  	[sflag:s18] =	ssyncset.done $0x0  }
0x7d: {  	[sflag:s18] =	ssyncadd.s32 $0xFFFFFFB0  }
0x7e: {  	[tilespmem:s21], [sflag:$0x8] =	stream.indirect.gather [hbm4b:s5+s10], $0x80, s3, s10, $0xb8;
	[tilespmem:$0x1E000] =	vst v63  }
0x7f: {  	_ =	swait.ge [sflag:s26], $0x2800  }
0x80: {  	[sflag:s26] =	ssyncset.done $0x0  }
0x81: {  	s20 =	simm.s32 $0x280;
	[sflag:s26] =	ssyncadd.s32 $0xFFFFD800  }
0x82: {  	[spmem:s2] =	stream.indirect.scatter.add.f32 [tilespmem:s13], [sflag:$0x9], $0x80, s20, s10, $0xb8;
	[tilespmem:$0x1E000] =	vst v63  }
0x83: {  	p0 =	seq.s32 s30, $0x4B0;
	_ =	swait.ge [sflag:s8], $0x2800  }
0x84: {  	s19 =	simm.s32 @!p0 $0x0;
	[sflag:s8] =	ssyncset.done $0x0  }
0x85: {  	s6 =	sadd.s32 @!p0 s30, s25;
	s20 =	simm.s32 @!p0 $0x80;
	[sflag:s8] =	ssyncadd.s32 $0xFFFFD800  }
0x86: {  	[tilespmem:s20], [sflag:$0x2] =	stream.linear.gather @!p0 [hbm4b:s6+s19], $0x50, $0x38;
	[tilespmem:$0x1E000] =	vst v63  }
0x87: {  	s6 =	sadd.s32 @!p0 s30, s24;
	s20 =	simm.s32 @!p0 $0x280  }
0x88: {  	[tilespmem:s20], [sflag:$0x2] =	stream.linear.gather @!p0 [hbm4b:s6+s19], $0x50, $0x38;
	[tilespmem:$0x1E000] =	vst v63  }
0x89: {  	_ =	swait.ge [sflag:s9], $0x50  }
0x8a: {  	[sflag:s9] =	ssyncset.done $0x0  }
0x8b: {  	[sflag:s9] =	ssyncadd.s32 $0xFFFFFFB0  }
0x8c: {  	_ =	swait.ge [sflag:s9], $0x50  }
0x8d: {  	[sflag:s9] =	ssyncset.done $0x0  }
0x8e: {  	[sflag:s9] =	ssyncadd.s32 $0xFFFFFFB0  }
0x8f: {  	[tilespmem:s11], [sflag:$0x5] =	stream.indirect.gather [hbm4b:s5+s10], $0x80, s4, s10, $0xb8;
	[tilespmem:$0x1E000] =	vst v63  }
0x90: {  	_ =	swait.ge [sflag:s17], $0x2800  }
0x91: {  	[sflag:s17] =	ssyncset.done $0x0  }
.Ltmp2:
0x92: {  	[sflag:s17] =	ssyncadd.s32 $0xFFFFD800;
	(pc) =	sbr.rel @p0 .LBB2_4-.Ltmp2, $4  }
0x93: {  	[spmem:s2] =	stream.indirect.scatter.add.f32 [tilespmem:s15], [sflag:$0x9], $0x80, s0, s10, $0xb8;
	[tilespmem:$0x1E000] =	vst v63  }
0x94: {  	_ =	swait.ge [sflag:s8], $0x2800  }
0x95: {  	[sflag:s8] =	ssyncset.done $0x0  }
0x96: {  	[sflag:s8] =	ssyncadd.s32 $0xFFFFD800  }
0x97: {  	s6 =	sadd.s32 s30, s23;
	s19 =	rddreg [dreg:$0x13]  }
0x98: {  	[tilespmem:s31], [sflag:$0x3] =	stream.linear.gather [hbm4b:s6+s4], $0x50, $0x38;
	[tilespmem:$0x1E000] =	vst v63  }
0x99: {  	s6 =	sadd.s32 s30, s19  }
0x9a: {  	[tilespmem:s0], [sflag:$0x3] =	stream.linear.gather [hbm4b:s6+s4], $0x50, $0x38;
	[tilespmem:$0x1E000] =	vst v63  }
0x9b: {  	_ =	swait.ge [sflag:s12], $0x50  }
0x9c: {  	[sflag:s12] =	ssyncset.done $0x0  }
0x9d: {  	[sflag:s12] =	ssyncadd.s32 $0xFFFFFFB0  }
0x9e: {  	_ =	swait.ge [sflag:s12], $0x50  }
0x9f: {  	[sflag:s12] =	ssyncset.done $0x0  }
0xa0: {  	s20 =	simm.s32 $0x80;
	[sflag:s12] =	ssyncadd.s32 $0xFFFFFFB0  }
0xa1: {  	[tilespmem:s13], [sflag:$0x6] =	stream.indirect.gather [hbm4b:s5+s10], $0x80, s20, s10, $0xb8;
	[tilespmem:$0x1E000] =	vst v63  }
0xa2: {  	_ =	swait.ge [sflag:s1], $0x2800  }
0xa3: {  	[sflag:s1] =	ssyncset.done $0x0  }
0xa4: {  	[sflag:s1] =	ssyncadd.s32 $0xFFFFD800  }
0xa5: {  	[spmem:s2] =	stream.indirect.scatter.add.f32 [tilespmem:s21], [sflag:$0x9], $0x80, s7, s10, $0xb8;
	[tilespmem:$0x1E000] =	vst v63  }
0xa6: {  	_ =	swait.ge [sflag:s8], $0x2800  }
0xa7: {  	[sflag:s8] =	ssyncset.done $0x0;
	s19 =	rddreg [dreg:$0x11]  }
0xa8: {  	s20 =	rddreg [dreg:$0x10];
	[sflag:s8] =	ssyncadd.s32 $0xFFFFD800;
	s6 =	sadd.s32 s30, s19  }
0xa9: {  	[tilespmem:s3], [sflag:$0x4] =	stream.linear.gather [hbm4b:s6+s4], $0x50, $0x38;
	[tilespmem:$0x1E000] =	vst v63  }
0xaa: {  	s6 =	sadd.s32 s30, s20  }
0xab: {  	[tilespmem:s7], [sflag:$0x4] =	stream.linear.gather [hbm4b:s6+s4], $0x50, $0x38;
	[tilespmem:$0x1E000] =	vst v63  }
0xac: {  	_ =	swait.ge [sflag:s14], $0x50  }
0xad: {  	[sflag:s14] =	ssyncset.done $0x0  }
.Ltmp3:
0xae: {  	[sflag:s14] =	ssyncadd.s32 $0xFFFFFFB0;
	(pc) =	sbr.rel .LBB2_2-.Ltmp3, $4  }
0xaf: {  	_ =	swait.ge [sflag:s14], $0x50  }
0xb0: {  	[sflag:s14] =	ssyncset.done $0x0  }
0xb1: {  	s29 =	sadd.s32 $0x140, s29;
	s30 =	sadd.s32 $0x28, s30;
	[sflag:s14] =	ssyncadd.s32 $0xFFFFFFB0  }
0xb2: {  	[tilespmem:s15], [sflag:$0x7] =	stream.indirect.gather [hbm4b:s5+s10], $0x80, s31, s10, $0xb8;
	[tilespmem:$0x1E000] =	vst v63  }
.LBB2_5:
0xb3: {  	_ =	sfence.sel $0x180000  }
0xb4: {  	[bflag:$0x0] =	sbarrier.arrive $0xFFFF  }
0xb5: {  	_ =	strace $0x9000004D  }
0xb6: {  	s0 =	stileid.u32;
	[bflag:$0x2] =	sbarrier.arrive $0xFFFF  }
0xb7: {  	p0 =	sne.s32 s0, $0x0;
	s0 =	rddreg [dreg:$0x3]  }
0xb8: {  	s0 =	sadd.s32 @!p0 $0x100000, s0  }
0xb9: {  	[sflag:s0] =	ssyncadd.tile.s32 @!p0 $0x1;
	_ =	shalt  }
.Lfunc_end2:
_tile_overlayer_lowered:
.L_overlay_start_2:
0xba: {  	(tag) =	ssettag $0x2  }
0xbb: {  	s0 =	rddreg [dreg:$0x0];
	s2 =	stileid.u32  }
0xbc: {  	s1 =	rddreg [dreg:$0x1];
	p0 =	sne.s32 s2, $0x0  }
0xbd: {  	s3 =	rddreg [dreg:$0x2];
	[bflag:$0x3] =	sbarrier.arrive $0xFFFF;
	s2 =	simm.s32 @!p0 $0x1C09  }
0xbe: {  	[timem:s3], [sflag:s2] =	dma.local @!p0 [hbm:s0], s1  }
0xbf: {  	s0 =	simm.s32 @!p0 $0x9  }
0xc0: {  	_ =	swait.ge @!p0 [sflag:s0], s1  }
0xc1: {  	s1 =	ssub.s32 @!p0 $0x0, s1;
	[sflag:s0] =	ssyncset.done @!p0 $0x0  }
0xc2: {  	[sflag:s0] =	ssyncadd.s32 @!p0 s1  }
0xc3: {  	[bflag:$0x3] =	sbarrier.arrive $0xFFFF  }
0xc4: {  	_ =	shalt  }

// kernel: kernel.7.cloned.1.call-start
scs
__scs_entry_jumppad:
0x0: {  	(pc) =	sbr.rel $0x88, $3  }
0x1: {  	(tag) =	ssettag $0x0;
	lr =	simm.s32 $0x1  }
0x2: {  	[smem:$0x3F97] =	sst lr;
	_ =	strace $0xD0000000  }
0x3: {  	_ = 	snop  }
0x4: {  	_ = 	snop  }
0x5: {  	_ = 	snop  }
0x6: {  	_ = 	snop  }
0x7: {  	_ = 	snop  }
__scs_overlays_trampoline_lowered:
0x8: {  	[smem:$0x3FA6] =	sst s0  }
0x9: {  	[smem:$0x3FA7] =	sst s1  }
0xa: {  	[smem:$0x3FA8] =	sst s2  }
0xb: {  	[smem:$0x3FA9] =	sst s3  }
0xc: {  	[smem:$0x3FAA] =	sst s4  }
0xd: {  	[smem:$0x3FAB] =	sst s5  }
0xe: {  	[smem:$0x3FAC] =	sst s6  }
0xf: {  	[smem:$0x3FAD] =	sst s7  }
0x10: {  	[smem:$0x3FAE] =	sst s8  }
0x11: {  	[smem:$0x3FAF] =	sst s9;
	s0 =	simm.s32 @!p0 $0x0  }
0x12: {  	s1 =	sld [smem:$0x3F95];
	s0 =	simm.s32 @p0 $0x1  }
0x13: {  	[smem:$0x3FB0] =	sst s0;
	s0 =	simm.s32 @!p1 $0x0  }
0x14: {  	s2 =	sld [smem:$0x3F94];
	s0 =	simm.s32 @p1 $0x1  }
0x15: {  	[smem:$0x3FB1] =	sst s0;
	s0 =	simm.s32 @!p2 $0x0  }
0x16: {  	s3 =	sld [smem:$0x3FDB];
	s0 =	simm.s32 @p2 $0x1  }
0x17: {  	s4 =	simm.s32 $0x1BF5;
	[smem:$0x3FB3] =	sst s0  }
0x18: {  	s0 =	sld [smem:$0x3F96];
	_ =	swait.ge [sflag:s4], $0x0  }
0x19: {  	s7 =	sld [smem:$0x3F97]  }
0x1a: {  	s8 =	sadd.s32 $0xFFFFE003, lr  }
0x1b: {  	s9 =	sadd.s32 $0xFFFFFEF7, lr;
	s5 =	simm.s32 $0xFFFFFFFF;
	p2 =	slt.u32 s8, $0xFFFFF086  }
0x1c: {  	p1 =	slt.u32 s9, $0xF7A;
	s5 =	simm.s32 @!p2 $0x0  }
0x1d: {  	s5 =	simm.s32 @p1 $0x1;
	p0 =	seq.s32 s7, s2  }
0x1e: {  	s7 =	smul.u32 @!p0 $0xF7A, s2;
	p2 =	seq.s32 @!p0 s5, $0x0  }
0x1f: {  	s9 =	smul.u32 $0xF7A, s1;
	s8 =	simm.s32 @!p0 $0x1BF5;
	p2 =	por !p2, p0  }
0x20: {  	[sflag:s8] =	ssyncset.s32 @!p0 $0xFFFFF086;
	s6 =	sadd.s32 @!p0 s3, s7;
	s7 =	simm.s32 @!p0 $0x108  }
0x21: {  	s3 =	sadd.s32 s3, s9;
	s6 =	sadd.s32 @!p0 $0x88, s6;
	s7 =	simm.s32 @p2 $0x1082  }
0x22: {  	[simem:s7], [sflag:s8] =	dma.local @!p0 [hbm:s6], $0xF7A  }
0x23: {  	s9 =	sor.u32 $0xD0000000, s2;
	s6 =	simm.s32 $0x108;
	_ =	swait.ge @!p0 [sflag:s8], $0x0  }
0x24: {  	s3 =	sadd.s32 $0x88, s3;
	s6 =	simm.s32 @!p1 $0x1082;
	[sflag:s4] =	ssyncset.s32 $0xFFFFF086  }
0x25: {  	[simem:s6], [sflag:s4] =	dma.local [hbm:s3], $0xF7A  }
0x26: {  	[smem:$0x3F97] =	sst s1;
	(tag) =	ssettag s2;
	_ =	strace s9  }
0x27: {  	s1 =	sld [smem:$0x3FA7]  }
0x28: {  	s2 =	sld [smem:$0x3FA8]  }
0x29: {  	s4 =	sld [smem:$0x3FAA]  }
0x2a: {  	p0 =	seq.s32 s5, $0x0;
	s5 =	sld [smem:$0x3FAB]  }
0x2b: {  	s6 =	sld [smem:$0x3FAC]  }
0x2c: {  	s7 =	sld [smem:$0x3FAD]  }
0x2d: {  	s3 =	simm.s32 $0x108;
	s8 =	sld [smem:$0x3FAE]  }
0x2e: {  	s3 =	simm.s32 @!p0 $0x1082;
	s9 =	sld [smem:$0x3FAF]  }
0x2f: {  	lr =	sadd.s32 s0, s3;
	s0 =	sld [smem:$0x3FA6]  }
0x30: {  	s3 =	sld [smem:$0x3FA9]  }
0x31: {  	[smem:$0x3FB2] =	sst s10  }
0x32: {  	s10 =	sld [smem:$0x3FB0];
	_ =	sdelay $0x3  }
0x33: {  	p0 =	seq.s32 s10, $0x1;
	s10 =	sld [smem:$0x3FB2];
	_ =	sdelay $0x3  }
0x34: {  	[smem:$0x3FB2] =	sst s10  }
0x35: {  	s10 =	sld [smem:$0x3FB1];
	_ =	sdelay $0x3  }
0x36: {  	p1 =	seq.s32 s10, $0x1;
	s10 =	sld [smem:$0x3FB2];
	_ =	sdelay $0x3  }
0x37: {  	[smem:$0x3FB2] =	sst s10  }
0x38: {  	s10 =	sld [smem:$0x3FB3]  }
0x39: {  	_ = 	snop;
	(pc) =	sbr.ind lr, $3  }
0x3a: {  	_ = 	snop  }
0x3b: {  	_ = 	snop  }
0x3c: {  	p2 =	seq.s32 s10, $0x1;
	s10 =	sld [smem:$0x3FB2]  }
0x3d: {  	_ =	shalt  }
0x3e: {  	_ =	shalt  }
0x3f: {  	_ =	shalt  }
0x40: {  	_ =	shalt  }
0x41: {  	_ =	shalt  }
0x42: {  	_ =	shalt  }
0x43: {  	_ =	shalt  }
0x44: {  	_ =	shalt  }
0x45: {  	_ =	shalt  }
0x46: {  	_ =	shalt  }
0x47: {  	_ =	shalt  }
0x48: {  	_ =	shalt  }
0x49: {  	_ =	shalt  }
0x4a: {  	_ =	shalt  }
0x4b: {  	_ =	shalt  }
0x4c: {  	_ =	shalt  }
0x4d: {  	_ =	shalt  }
0x4e: {  	_ =	shalt  }
0x4f: {  	_ =	shalt  }
0x50: {  	_ =	shalt  }
0x51: {  	_ =	shalt  }
0x52: {  	_ =	shalt  }
0x53: {  	_ =	shalt  }
0x54: {  	_ =	shalt  }
0x55: {  	_ =	shalt  }
0x56: {  	_ =	shalt  }
0x57: {  	_ =	shalt  }
0x58: {  	_ =	shalt  }
0x59: {  	_ =	shalt  }
0x5a: {  	_ =	shalt  }
0x5b: {  	_ =	shalt  }
0x5c: {  	_ =	shalt  }
0x5d: {  	_ =	shalt  }
0x5e: {  	_ =	shalt  }
0x5f: {  	_ =	shalt  }
0x60: {  	_ =	shalt  }
0x61: {  	_ =	shalt  }
0x62: {  	_ =	shalt  }
0x63: {  	_ =	shalt  }
0x64: {  	_ =	shalt  }
0x65: {  	_ =	shalt  }
0x66: {  	_ =	shalt  }
0x67: {  	_ =	shalt  }
0x68: {  	_ =	shalt  }
0x69: {  	_ =	shalt  }
0x6a: {  	_ =	shalt  }
0x6b: {  	_ =	shalt  }
0x6c: {  	_ =	shalt  }
0x6d: {  	_ =	shalt  }
0x6e: {  	_ =	shalt  }
0x6f: {  	_ =	shalt  }
0x70: {  	_ =	shalt  }
0x71: {  	_ =	shalt  }
0x72: {  	_ =	shalt  }
0x73: {  	_ =	shalt  }
0x74: {  	_ =	shalt  }
0x75: {  	_ =	shalt  }
0x76: {  	_ =	shalt  }
0x77: {  	_ =	shalt  }
0x78: {  	_ =	shalt  }
0x79: {  	_ =	shalt  }
0x7a: {  	_ =	shalt  }
0x7b: {  	_ =	shalt  }
0x7c: {  	_ =	shalt  }
0x7d: {  	_ =	shalt  }
0x7e: {  	_ =	shalt  }
0x7f: {  	_ =	shalt  }
0x80: {  	_ =	shalt  }
0x81: {  	_ =	shalt  }
0x82: {  	_ =	shalt  }
0x83: {  	_ =	shalt  }
0x84: {  	_ =	shalt  }
0x85: {  	_ =	shalt  }
0x86: {  	_ =	shalt  }
0x87: {  	_ =	shalt  }
.Lfunc_end0:
.L_simem_size_0:
called_computation_lowered:
.L_overlay_start_0:
0x88: {  	s2 =	sld [smem:$0x3FD9]  }
0x89: {  	s3 =	sld [smem:$0x3FFE];
	_ =	sdelay $0x1  }
0x8a: {  	s1 =	srdreg.scid  }
0x8b: {  	s0 =	sand.u32 $0x1, s1  }
0x8c: {  	s17 =	sshll.u32 s0, $0xA;
	s2 =	sadd.s32 s3, s2  }
0x8d: {  	s2 =	sadd.s32 s2, s17  }
0x8e: {  	[smem:$0x3FBE] =	sst s2  }
0x8f: {  	_ = 	snop  }
0x90: {  	s2 =	sld [smem:$0x3FD0];
	(tm) =	ssettm $0x1  }
0x91: {  	s18 =	sld [smem:$0x3FFB];
	_ =	sdelay $0x3  }
0x92: {  	_ =	strace s18  }
0x93: {  	s3 =	sld [smem:$0x3FFC];
	_ =	sdelay $0x3  }
0x94: {  	_ =	strace s3  }
0x95: {  	s3 =	sld [smem:$0x3FFD];
	_ =	sdelay $0x3  }
0x96: {  	_ =	strace s3  }
0x97: {  	_ =	strace $0x8FFFFFFF  }
0x98: {  	s19 =	sld [smem:$0x3FDB];
	_ =	sdelay $0x1  }
0x99: {  	s4 =	simm.s32 $_scs_section_size  }
0x9a: {  	s5 =	simm.s32 $_size__tile_overlayer_lowered;
	s6 =	simm.s32 $_tile_overlayer_lowered  }
0x9b: {  	s22 =	simm.s32 $0x1BFF;
	s21 =	sshll.u32 s6, $0x1;
	s3 =	sadd.s32 s4, s19  }
0x9c: {  	s7 =	simm.s32 $0x0;
	s20 =	sshll.u32 s5, $0x1;
	s5 =	sadd.s32 s21, s3  }
0x9d: {  	[timem:s7], [sflag:s22] =	dma.local [hbm:s5], s20  }
0x9e: {  	_ =	swait.ge [sflag:s22], s20  }
0x9f: {  	s4 =	ssub.s32 $0x0, s20;
	[sflag:s22] =	ssyncset.done $0x0  }
0xa0: {  	[sflag:s22] =	ssyncadd.s32 s4;
	_ =	sdelay $0x1  }
0xa1: {  	s23 =	simm.s32 $0x1B8B  }
0xa2: {  	_ =	swait.ge [sflag:s23], $0x1  }
0xa3: {  	[sflag:s23] =	ssyncset.done $0x0  }
0xa4: {  	s25 =	simm.s32 $0x1B8E;
	s24 =	sld [smem:$0x3FFE];
	[sflag:s23] =	ssyncadd.s32 $0xFFFFFFFF  }
0xa5: {  	s26 =	simm.s32 $execute0_lowered;
	[smem:$0x3FD2] =	sst s25  }
0xa6: {  	s5 =	sshll.u32 s26, $0x1;
	_ =	strace $0x80000046;
	[dreg:$0x1] =	wrdreg $0xFFFFFFFF  }
0xa7: {  	s28 =	simm.s32 $_size_execute0_lowered;
	s3 =	sadd.s32 s3, s5;
	[dreg:$0x0] =	wrdreg $0x0  }
0xa8: {  	s5 =	sshll.u32 s28, $0x1;
	[dreg:$0x2] =	wrdreg s3  }
0xa9: {  	[dreg:$0x3] =	wrdreg s5  }
0xaa: {  	[dreg:$0x4] =	wrdreg $0xC0  }
0xab: {  	_ =	task [dreg:s7], $0x5FFFF  }
0xac: {  	[dreg:$0x1] =	wrdreg $0xFFFFFFFF  }
0xad: {  	[dreg:$0x0] =	wrdreg $0x60  }
0xae: {  	[dreg:$0x2] =	wrdreg s24  }
0xaf: {  	[dreg:$0x3] =	wrdreg s2  }
0xb0: {  	[dreg:$0x4] =	wrdreg $0x29000  }
0xb1: {  	[dreg:$0x5] =	wrdreg $0x9  }
0xb2: {  	_ =	task.clear_ibuf [dreg:s7], $0x6FFFF;
	_ =	strace $0x90000046  }
0xb3: {  	s29 =	simm.s32 $0x9;
	_ =	strace $0x80000048  }
0xb4: {  	_ =	swait.ge [sflag:s29], $0x1  }
0xb5: {  	[sflag:s29] =	ssyncadd.s32 $0xFFFFFFFF  }
0xb6: {  	_ =	strace $0x90000048  }
0xb7: {  	_ =	sfence  }
0xb8: {  	s30 =	sld [smem:$0x0];
	_ =	sdelay $0x2  }
0xb9: {  	s31 =	sshll.u32 s1, $0xD;
	s1 =	sshrl.u32 s1, $0x2  }
0xba: {  	s3 =	sand.u32 $0x4000, s31;
	s1 =	sadd.s32 s1, s30  }
0xbb: {  	s0 =	sor.u32 s3, s0;
	s1 =	sshll.u32 s1, $0x11  }
0xbc: {  	s0 =	sor.u32 s1, s0  }
0xbd: {  	s0 =	sadd.s32 $0x8F2B, s0  }
0xbe: {  	[sflag:s0] =	ssyncadd.remote.s32 $0x1  }
0xbf: {  	_ =	sfence.sel $0xFFFF  }
0xc0: {  	[dreg:$0x0] =	wrdreg $0xFFFFFFFF;
	(pc) =	sbr.abs _section_cstart, $3  }
0xc1: {  	[dreg:$0x1] =	wrdreg $0xFFFFFFFF  }
0xc2: {  	_ =	task.clear_ibuf [dreg:s7], $0x2FFFF;
	_ =	strace $0x9FFFFFFF  }
0xc3: {  	(tm) =	ssettm $0x7FFFFFFF  }
tec
execute0_lowered:
.L_overlay_start_1:
0x0: {  	(tag) =	ssettag $0x1  }
0x1: {  	s6 =	rddreg [dreg:$0x0]  }
0x2: {  	s2 =	rddreg [dreg:$0x1]  }
0x3: {  	s3 =	rddreg [dreg:$0x2];
	s4 =	srdreg.scid  }
0x4: {  	s0 =	rddreg [dreg:$0x3];
	s1 =	stileid.u32;
	s16 =	simm.s32 $0x3  }
0x5: {  	s17 =	simm.s32 $0x100;
	s18 =	simm.s32 $0x1;
	s21 =	smul.u32 $0x2780, s1  }
0x6: {  	s19 =	simm.s32 $0x50;
	s20 =	simm.s32 $0x2;
	s25 =	smul.u32 $0x4F000, s1  }
0x7: {  	s7 =	sand.u32 $0x1, s4;
	s4 =	simm.s32 $0x0;
	s13 =	smul.u32 $0x2710, s1  }
0x8: {  	s14 =	sshll.u32 s1, $0x6;
	s5 =	sshll.u32 s7, $0x4;
	s8 =	smul.u32 $0x27800, s7  }
0x9: {  	[smem:$0x7FF] =	sst s4;
	s12 =	ssub.s32 $0x2, s7;
	s28 =	smul.u32 $0x27100, s7  }
0xa: {  	s9 =	sor.u32 s1, s5;
	_ =	strace $0x80000047;
	s5 =	sadd.s32 $0xBE00, s6  }
0xb: {  	s10 =	sadd.s32 s21, s6;
	s29 =	sshrl.u32 s12, $0x1;
	s9 =	smul.u32 $0x2710, s9  }
0xc: {  	s11 =	sadd.s32 s8, s6;
	s12 =	ssub.s32 s12, s29;
	s8 =	sshrl.u32 s25, $0x2  }
0xd: {  	s13 =	sadd.s32 s13, s28;
	s15 =	sadd.s32 s8, s3;
	s8 =	sadd.s32 $0xC400, s10  }
0xe: {  	s30 =	sadd.s32 $0xF0, s13;
	s22 =	sadd.s32 $0x33C00, s11;
	s10 =	smax.u32 s12, $0x1  }
0xf: {  	s13 =	sadd.s32 $0xA0, s13;
	s26 =	sshrl.u32 s9, $0x3;
	s9 =	sor.u32 $0x1C03, s14  }
0x10: {  	s31 =	sshrl.u32 s30, $0x3;
	s14 =	simm.s32 $0x80;
	s15 =	sshrl.u32 s15, $0x3  }
0x11: {  	s21 =	sadd.s32 s21, s22;
	s22 =	simm.s32 $0x0;
	s6 =	sadd.s32 s2, s26  }
0x12: {  	s12 =	sadd.s32 s31, s2;
	s7 =	sadd.s32 $0xA, s6;
	s11 =	sadd.s32 $0x4D8, s6  }
.LBB2_1:
0x13: {  	[tilespmem:s4], [sflag:$0x1] =	stream.linear.gather [hbm4b:s6+s4], $0x50, $0x38;
	[tilespmem:$0x16500] =	vst v63  }
0x14: {  	_ = 	snop  }
0x15: {  	[tilespmem:s14], [sflag:$0x2] =	stream.linear.gather [hbm4b:s7+s4], $0x50, $0x38;
	[tilespmem:$0x16500] =	vst v63  }
0x16: {  	[spmem:s15], [sflag:s9] =	dma.local [hbm:s8], $0x2780  }
0x17: {  	_ =	swait.ge [sflag:s16], $0x2780  }
0x18: {  	[sflag:s16] =	ssyncset.done $0x0  }
0x19: {  	[sflag:s16] =	ssyncadd.s32 $0xFFFFD880  }
0x1a: {  	[tilespmem:s17], [sflag:$0x3] =	stream.linear.gather [hbm4b:s5+s4], $0x2800, $0x38;
	[tilespmem:$0x16500] =	vst v63  }
0x1b: {  	_ =	swait.ge [sflag:s16], $0x2800  }
0x1c: {  	[sflag:s16] =	ssyncset.done $0x0  }
0x1d: {  	[sflag:s16] =	ssyncadd.s32 $0xFFFFD800  }
0x1e: {  	_ =	swait.ge [sflag:s18], $0x50  }
0x1f: {  	[sflag:s18] =	ssyncset.done $0x0  }
0x20: {  	[sflag:s18] =	ssyncadd.s32 $0xFFFFFFB0  }
0x21: {  	[bflag:$0x0] =	sbarrier.arrive $0xFFFF  }
0x22: {  	[spmem:s3] =	stream.indirect.scatter.add.f32 [tilespmem:s17], [sflag:$0x3], $0x80, s4, s19, $0xb8;
	[tilespmem:$0x16500] =	vst v63  }
0x23: {  	_ =	swait.ge [sflag:s16], $0x2800  }
0x24: {  	s23 =	sshrl.u32 s13, $0x3;
	[sflag:s16] =	ssyncset.done $0x0  }
0x25: {  	s23 =	sadd.s32 s2, s23;
	[sflag:s16] =	ssyncadd.s32 $0xFFFFD800  }
0x26: {  	[tilespmem:s4], [sflag:$0x1] =	stream.linear.gather [hbm4b:s23+s4], $0x50, $0x38;
	[tilespmem:$0x16500] =	vst v63  }
0x27: {  	_ =	swait.ge [sflag:s20], $0x50  }
0x28: {  	[sflag:s20] =	ssyncset.done $0x0  }
0x29: {  	[sflag:s20] =	ssyncadd.s32 $0xFFFFFFB0  }
0x2a: {  	[spmem:s3] =	stream.indirect.scatter.add.f32 [tilespmem:s17], [sflag:$0x3], $0x80, s14, s19, $0xb8;
	[tilespmem:$0x16500] =	vst v63  }
0x2b: {  	_ =	swait.ge [sflag:s16], $0x2800  }
0x2c: {  	[sflag:s16] =	ssyncset.done $0x0  }
0x2d: {  	s31 =	sadd.s32 $0x0, s12;
	[sflag:s16] =	ssyncadd.s32 $0xFFFFD800  }
0x2e: {  	[tilespmem:s14], [sflag:$0x2] =	stream.linear.gather [hbm4b:s31+s4], $0x50, $0x38;
	[tilespmem:$0x16500] =	vst v63  }
0x2f: {  	_ =	swait.ge [sflag:s18], $0x50  }
0x30: {  	s24 =	smov.u32 s13;
	s23 =	simm.s32 $0x14;
	[sflag:s18] =	ssyncset.done $0x0  }
.LBB2_2:
0x31: {  	p0 =	sne.s32 s23, $0x4B0;
	[sflag:s18] =	ssyncadd.s32 $0xFFFFFFB0;
	s24 =	sadd.s32 $0xA0, s24  }
0x32: {  	[spmem:s3] =	stream.indirect.scatter.add.f32 [tilespmem:s17], [sflag:$0x3], $0x80, s4, s19, $0xb8;
	[tilespmem:$0x16500] =	vst v63  }
0x33: {  	s25 =	smov.u32 s23;
	s23 =	sadd.s32 $0x14, s23;
	_ =	swait.ge [sflag:s16], $0x2800  }
0x34: {  	s26 =	sshrl.u32 s24, $0x3;
	[sflag:s16] =	ssyncset.done $0x0  }
0x35: {  	s26 =	sadd.s32 s2, s26;
	[sflag:s16] =	ssyncadd.s32 $0xFFFFD800  }
0x36: {  	[tilespmem:s4], [sflag:$0x1] =	stream.linear.gather [hbm4b:s26+s4], $0x50, $0x38;
	[tilespmem:$0x16500] =	vst v63  }
0x37: {  	_ =	swait.ge [sflag:s20], $0x50  }
0x38: {  	[sflag:s20] =	ssyncset.done $0x0  }
0x39: {  	[sflag:s20] =	ssyncadd.s32 $0xFFFFFFB0  }
0x3a: {  	[spmem:s3] =	stream.indirect.scatter.add.f32 [tilespmem:s17], [sflag:$0x3], $0x80, s14, s19, $0xb8;
	[tilespmem:$0x16500] =	vst v63  }
0x3b: {  	_ =	swait.ge [sflag:s16], $0x2800  }
.Ltmp0:
0x3c: {  	[sflag:s16] =	ssyncset.done $0x0;
	(pc) =	sbr.rel @p0 .LBB2_2-.Ltmp0, $4  }
0x3d: {  	s25 =	sadd.s32 s25, s12;
	[sflag:s16] =	ssyncadd.s32 $0xFFFFD800  }
0x3e: {  	[tilespmem:s14], [sflag:$0x2] =	stream.linear.gather [hbm4b:s25+s4], $0x50, $0x38;
	[tilespmem:$0x16500] =	vst v63  }
0x3f: {  	_ =	swait.ge [sflag:s18], $0x50  }
0x40: {  	[sflag:s18] =	ssyncset.done $0x0  }
0x41: {  	[sflag:s18] =	ssyncadd.s32 $0xFFFFFFB0  }
0x42: {  	[spmem:s3] =	stream.indirect.scatter.add.f32 [tilespmem:s17], [sflag:$0x3], $0x80, s4, s19, $0xb8;
	[tilespmem:$0x16500] =	vst v63  }
0x43: {  	_ =	swait.ge [sflag:s16], $0x2800  }
0x44: {  	[sflag:s16] =	ssyncset.done $0x0  }
0x45: {  	[sflag:s16] =	ssyncadd.s32 $0xFFFFD800  }
0x46: {  	[tilespmem:s4], [sflag:$0x1] =	stream.linear.gather [hbm4b:s11+s4], $0x50, $0x38;
	[tilespmem:$0x16500] =	vst v63  }
0x47: {  	_ =	swait.ge [sflag:s20], $0x50  }
0x48: {  	[sflag:s20] =	ssyncset.done $0x0  }
0x49: {  	[sflag:s20] =	ssyncadd.s32 $0xFFFFFFB0  }
0x4a: {  	[spmem:s3] =	stream.indirect.scatter.add.f32 [tilespmem:s17], [sflag:$0x3], $0x80, s14, s19, $0xb8;
	[tilespmem:$0x16500] =	vst v63  }
0x4b: {  	_ =	swait.ge [sflag:s16], $0x2800  }
0x4c: {  	[sflag:s16] =	ssyncset.done $0x0  }
0x4d: {  	[sflag:s16] =	ssyncadd.s32 $0xFFFFD800  }
0x4e: {  	_ =	swait.ge [sflag:s18], $0x50  }
0x4f: {  	[sflag:s18] =	ssyncset.done $0x0  }
0x50: {  	[sflag:s18] =	ssyncadd.s32 $0xFFFFFFB0  }
0x51: {  	[spmem:s3] =	stream.indirect.scatter.add.f32 [tilespmem:s17], [sflag:$0x3], $0x80, s4, s19, $0xb8;
	[tilespmem:$0x16500] =	vst v63  }
0x52: {  	_ =	swait.ge [sflag:s16], $0x2800  }
0x53: {  	s22 =	sadd.s32 $0x1, s22;
	[sflag:s16] =	ssyncset.done $0x0  }
0x54: {  	p0 =	sne.s32 s22, s10;
	[sflag:s16] =	ssyncadd.s32 $0xFFFFD800  }
.Ltmp1:
0x55: {  	[bflag:$0x0] =	sbarrier.arrive $0xFFFF;
	(pc) =	sbr.rel @p0 .LBB2_1-.Ltmp1, $4  }
0x56: {  	[hbm:s21], [sflag:s9] =	dma.local [spmem:s15], $0x2780  }
0x57: {  	_ =	swait.ge [sflag:s16], $0x2780  }
0x58: {  	[sflag:s16] =	ssyncset.done $0x0  }
0x59: {  	[sflag:s16] =	ssyncadd.s32 $0xFFFFD880  }
0x5a: {  	_ =	sfence.sel $0x180000  }
0x5b: {  	[bflag:$0x0] =	sbarrier.arrive $0xFFFF  }
0x5c: {  	p0 =	sne.s32 s1, $0x0;
	_ =	strace $0x90000047  }
0x5d: {  	s0 =	sadd.s32 @!p0 $0x100000, s0;
	[bflag:$0x2] =	sbarrier.arrive $0xFFFF  }
0x5e: {  	[sflag:s0] =	ssyncadd.tile.s32 @!p0 $0x1;
	_ =	shalt  }
.Lfunc_end2:
_tile_overlayer_lowered:
.L_overlay_start_2:
0x5f: {  	(tag) =	ssettag $0x2  }
0x60: {  	s0 =	rddreg [dreg:$0x0];
	s2 =	stileid.u32  }
0x61: {  	s1 =	rddreg [dreg:$0x1];
	p0 =	sne.s32 s2, $0x0  }
0x62: {  	s3 =	rddreg [dreg:$0x2];
	[bflag:$0x3] =	sbarrier.arrive $0xFFFF;
	s2 =	simm.s32 @!p0 $0x1C03  }
0x63: {  	[timem:s3], [sflag:s2] =	dma.local @!p0 [hbm:s0], s1  }
0x64: {  	s0 =	simm.s32 @!p0 $0x3  }
0x65: {  	_ =	swait.ge @!p0 [sflag:s0], s1  }
0x66: {  	s1 =	ssub.s32 @!p0 $0x0, s1;
	[sflag:s0] =	ssyncset.done @!p0 $0x0  }
0x67: {  	[sflag:s0] =	ssyncadd.s32 @!p0 s1  }
0x68: {  	[bflag:$0x3] =	sbarrier.arrive $0xFFFF  }
0x69: {  	_ =	shalt  }

</sc_bundles>
